<compile_context>
chip_gen: v7x
topology: tpu7x:2x2x1
jax: 0.10.2.dev20260603
libtpu: 0.0.44.dev20260713+nightly
codegen_flags: <defaults>
</compile_context>

<pallas_src>
import jax
import jax.numpy as jnp
from jax import lax
from jax.experimental import pallas as pl
from jax.experimental.pallas import tpu as pltpu
from jax.experimental.pallas import tpu_sc as plsc

N_GR = 16
RN = 200
EPER = 8000
NB = 2 * N_GR
ASZ = RN * RN
REG = ASZ + 8
EPAD = 8064
K1 = RN // 2
K2 = K1 // 2
LAT = 64

_HI = lax.Precision.HIGHEST


def _dot(a, b):
    return jnp.dot(a, b, precision=_HI, preferred_element_type=jnp.float32)


def _dotl(a, b):
    return jnp.dot(a.astype(jnp.bfloat16), b.astype(jnp.bfloat16),
                   preferred_element_type=jnp.float32)


def _adj_body(idx_hbm, vals_hbm, zeros_hbm, out_hbm,
              idx_v, vals_v, buf_v, acc_sh, sem):
    c = lax.axis_index("c")
    s = lax.axis_index("s")
    b = c * N_GR + s
    base = s * REG

    pltpu.sync_copy(idx_hbm.at[b], idx_v)
    pltpu.sync_copy(vals_hbm.at[b], vals_v)

    pltpu.sync_copy(zeros_hbm, buf_v)
    pltpu.sync_copy(buf_v, acc_sh.at[pl.ds(base, ASZ)])

    pltpu.async_copy(vals_v, acc_sh.at[idx_v], sem, add=True).wait()

    pltpu.sync_copy(acc_sh.at[pl.ds(base, ASZ)], buf_v)
    pltpu.sync_copy(buf_v, out_hbm.at[b])


def _build_adj(idx, vals, zeros):
    mesh = plsc.VectorSubcoreMesh(core_axis_name="c", subcore_axis_name="s")
    f = pl.kernel(
        _adj_body,
        out_type=jax.ShapeDtypeStruct((NB, ASZ), jnp.float32),
        mesh=mesh,
        scratch_types=[
            pltpu.VMEM((EPAD,), jnp.int32),
            pltpu.VMEM((EPAD,), jnp.float32),
            pltpu.VMEM((ASZ,), jnp.float32),
            pltpu.VMEM_SHARED((N_GR * REG,), jnp.float32),
            pltpu.SemaphoreType.DMA,
        ],
    )
    return f(idx, vals, zeros)


def _col2row(v):
    return jnp.swapaxes(v, 0, 1)


def _cheb(A_norm, x, Wf, b_row, lmul_dot):
    f = Wf.shape[0] // 3
    tx1 = -lmul_dot(A_norm, x)
    tx2 = -2.0 * lmul_dot(A_norm, tx1) - x
    return (_dotl(x, Wf[0:f]) + _dotl(tx1, Wf[f:2 * f])
            + _dotl(tx2, Wf[2 * f:3 * f]) + b_row)


def _norm_adj(A, n):
    deg = jnp.sum(A, axis=1, keepdims=True)
    pos = deg > 0.0
    dinv = jnp.where(pos, lax.rsqrt(jnp.where(pos, deg, 1.0)), 0.0)
    return A * dinv * _col2row(dinv)


def _select(score, n, k):
    i = lax.broadcasted_iota(jnp.int32, (n, n), 0)
    j = lax.broadcasted_iota(jnp.int32, (n, n), 1)
    s_row = _col2row(score)
    beats = (s_row > score) | ((s_row == score) & (j < i))
    rank = jnp.sum(beats.astype(jnp.float32), axis=1, keepdims=True)
    pk = lax.broadcasted_iota(jnp.int32, (k, 1), 0).astype(jnp.float32)
    S = (pk == _col2row(rank)).astype(jnp.float32)
    rk = lax.broadcasted_iota(jnp.int32, (1, k), 1).astype(jnp.float32)
    St = (rank == rk).astype(jnp.float32)
    return S, St


def _sigmoid(z):
    return 1.0 / (1.0 + jnp.exp(-z))


def _score(x, pw_ref):
    pw = pw_ref[...]
    wnorm = jnp.sqrt(jnp.sum(pw * pw))
    pw_col = jnp.swapaxes(pw, 0, 1)
    return _sigmoid(_dotl(x, pw_col) / wnorm)


GPB = 1

_NEG = -3.0e38


def _graph_body(a_ref, x_ref, w1_ref, b1_ref, pw1_ref, w2_ref, b2_ref, pw2_ref,
                h_ref):
    ikk = lax.broadcasted_iota(jnp.int32, (K1, K1), 0)
    jkk = lax.broadcasted_iota(jnp.int32, (K1, K1), 1)
    eye_k = (ikk == jkk).astype(jnp.float32)
    for t in range(GPB):
        A = a_ref[t]
        x = x_ref[t]

        xc = _cheb(_norm_adj(A, RN), x, w1_ref[...], b1_ref[...], _dot)

        s1 = _score(xc, pw1_ref)
        S1, St1 = _select(s1, RN, K1)
        xp = _dot(S1, xc * s1)
        Ap = _dot(S1, _dot(A, St1))

        h_ref[t, 0:1, 0:64] = jnp.max(xp, axis=0, keepdims=True)
        h_ref[t, 0:1, 64:128] = jnp.sum(xp, axis=0, keepdims=True) / float(K1)

        aaug = Ap + eye_k
        A2 = _dotl(aaug, aaug) * (1.0 - eye_k)

        xc2 = _cheb(_norm_adj(A2, K1), xp, w2_ref[...], b2_ref[...], _dotl)

        s2 = _score(xc2, pw2_ref)
        S2, _ = _select(s2, K1, K2)
        xp2 = _dot(S2, xc2 * s2)

        h_ref[t, 0:1, 128:192] = jnp.max(xp2, axis=0, keepdims=True)
        h_ref[t, 0:1, 192:256] = jnp.sum(xp2, axis=0, keepdims=True) / float(K2)


def _graph_tc(A_all, X_all, w1, b1, pw1, w2, b2, pw2):
    return pl.pallas_call(
        _graph_body,
        grid=(NB // GPB,),
        in_specs=[
            pl.BlockSpec((GPB, RN, RN), lambda g: (g, 0, 0)),
            pl.BlockSpec((GPB, RN, RN), lambda g: (g, 0, 0)),
            pl.BlockSpec((3 * RN, LAT), lambda g: (0, 0)),
            pl.BlockSpec((1, LAT), lambda g: (0, 0)),
            pl.BlockSpec((1, LAT), lambda g: (0, 0)),
            pl.BlockSpec((3 * LAT, LAT), lambda g: (0, 0)),
            pl.BlockSpec((1, LAT), lambda g: (0, 0)),
            pl.BlockSpec((1, LAT), lambda g: (0, 0)),
        ],
        out_specs=pl.BlockSpec((GPB, 1, 256), lambda g: (g, 0, 0)),
        out_shape=jax.ShapeDtypeStruct((NB, 1, 256), jnp.float32),
    )(A_all, X_all, w1, b1, pw1, w2, b2, pw2).reshape(NB, 256)


def _head_body(h_ref, fcw_ref, fcb_ref, bng_ref, bnb_ref, c1_ref, c2_ref,
               c2b_ref, o1_ref, o2_ref, f1_ref, f2_ref):
    h = jax.nn.relu(_dotl(h_ref[...], fcw_ref[...]) + fcb_ref[...])
    for v, (f_ref, o_ref) in enumerate(((f1_ref, o1_ref), (f2_ref, o2_ref))):
        hv = h[v * N_GR:(v + 1) * N_GR]
        mu = jnp.sum(hv, axis=0, keepdims=True) / float(N_GR)
        d = hv - mu
        var = jnp.sum(d * d, axis=0, keepdims=True) / float(N_GR)
        hn = d * lax.rsqrt(var + 1e-5) * bng_ref[...] + bnb_ref[...]
        out = _dotl(jax.nn.relu(_dotl(hn, c1_ref[...])), c2_ref[...]) + c2b_ref[...]
        fn = jnp.maximum(jnp.sqrt(jnp.sum(hn * hn, axis=1, keepdims=True)), 1e-12)
        on = jnp.maximum(jnp.sqrt(jnp.sum(out * out, axis=1, keepdims=True)), 1e-12)
        f_ref[...] = hn / fn
        o_ref[...] = out / on


def _head_tc(H, fcw, fcb, bng, bnb, c1w, c2w, c2b):
    return pl.pallas_call(
        _head_body,
        out_shape=(
            jax.ShapeDtypeStruct((N_GR, 512), jnp.float32),
            jax.ShapeDtypeStruct((N_GR, 512), jnp.float32),
            jax.ShapeDtypeStruct((N_GR, 256), jnp.float32),
            jax.ShapeDtypeStruct((N_GR, 256), jnp.float32),
        ),
    )(H, fcw, fcb, bng, bnb, c1w, c2w, c2b)


def _edge_blocks(edge_index, edge_attr):
    src = edge_index[0].reshape(N_GR, EPER)
    dst = edge_index[1].reshape(N_GR, EPER)
    g = jnp.arange(N_GR, dtype=jnp.int32)[:, None]
    flat = RN * src + dst - (RN * RN + RN) * g + g * REG
    flat = jnp.pad(flat, ((0, 0), (0, EPAD - EPER)),
                   constant_values=ASZ)
    vals = jnp.pad(edge_attr.reshape(N_GR, EPER), ((0, 0), (0, EPAD - EPER)))
    return flat.astype(jnp.int32), vals


def kernel(x1, edge_index1, edge_attr1, batch1,
           x2, edge_index2, edge_attr2, batch2, params):
    i1, v1 = _edge_blocks(edge_index1, edge_attr1)
    i2, v2 = _edge_blocks(edge_index2, edge_attr2)
    idx = jnp.concatenate([i1, i2], axis=0)
    vals = jnp.concatenate([v1, v2], axis=0)
    zeros = jnp.zeros((ASZ,), jnp.float32)

    A_all = _build_adj(idx, vals, zeros).reshape(NB, RN, RN)

    X_all = jnp.concatenate([x1.reshape(N_GR, RN, RN),
                             x2.reshape(N_GR, RN, RN)], axis=0)

    p = params
    H = _graph_tc(A_all, X_all,
                  p['conv1_W'].reshape(3 * RN, LAT),
                  p['conv1_b'].reshape(1, LAT),
                  p['pool1_w'].reshape(1, LAT),
                  p['conv2_W'].reshape(3 * LAT, LAT),
                  p['conv2_b'].reshape(1, LAT),
                  p['pool2_w'].reshape(1, LAT))

    o1, o2, f1, f2 = _head_tc(H, p['fc_W'], p['fc_b'].reshape(1, 256),
                              p['bn_g'].reshape(1, 256),
                              p['bn_b'].reshape(1, 256),
                              p['c1_W'], p['c2_W'], p['c2_b'].reshape(1, 512))
    return (o1, o2, f1, f2)

# --- scband reference (transcript-rebuilt; emitter-appended) ---
"""Pipeline reference for scband-contra-graph-learning-34677565948079 (READ-ONLY COPY).

The authoritative reference and input builder live on the scoring server;
editing this copy changes nothing except your own understanding.
"""

import math
import jax, jax.numpy as jnp
import numpy as np

N_GRAPHS = 16
R = 200
E_PER = 8000
INDIM = 200
RATIO = 0.5
LAT = 64


def _make_params(key):
    ks = jax.random.split(key, 7)
    def g(k, shape, scale=0.1):
        return jax.random.normal(k, shape, dtype=jnp.float32) * scale
    return {
        'conv1_W': g(ks[0], (3, INDIM, LAT)),
        'conv1_b': jnp.zeros((LAT,), jnp.float32),
        'pool1_w': g(ks[1], (LAT,)),
        'conv2_W': g(ks[2], (3, LAT, LAT)),
        'conv2_b': jnp.zeros((LAT,), jnp.float32),
        'pool2_w': g(ks[3], (LAT,)),
        'fc_W': g(ks[4], (256, 256)),
        'fc_b': jnp.zeros((256,), jnp.float32),
        'bn_g': jnp.ones((256,), jnp.float32),
        'bn_b': jnp.zeros((256,), jnp.float32),
        'c1_W': g(ks[5], (256, 64)),
        'c2_W': g(ks[6], (64, 512)),
        'c2_b': jnp.zeros((512,), jnp.float32),
    }


def _make_view(seed):
    rng = np.random.default_rng(seed)
    off = np.arange(N_GRAPHS)[:, None] * R
    src = (rng.integers(0, R, (N_GRAPHS, E_PER)) + off).reshape(-1)
    dst = (rng.integers(0, R, (N_GRAPHS, E_PER)) + off).reshape(-1)
    ei = jnp.asarray(np.stack([src, dst]), dtype=jnp.int32)
    ea = jnp.asarray(rng.random(N_GRAPHS * E_PER).astype(np.float32))
    x = jnp.asarray(rng.standard_normal((N_GRAPHS * R, INDIM)).astype(np.float32))
    b = jnp.repeat(jnp.arange(N_GRAPHS, dtype=jnp.int32), R)
    return x, ei, ea, b


def setup_inputs(seed: int = 0) -> dict:
    key = jax.random.key(seed)
    x1, ei1, ea1, b1 = _make_view(1)
    x2, ei2, ea2, b2 = _make_view(2)
    return {'x1': x1, 'edge_index1': ei1, 'edge_attr1': ea1, 'batch1': b1,
            'x2': x2, 'edge_index2': ei2, 'edge_attr2': ea2, 'batch2': b2,
            'params': _make_params(key)}


def _safe_dinv(deg):
    safe = jnp.where(deg > 0, deg, 1.0)
    return jnp.where(deg > 0, safe ** -0.5, 0.0)


def _cheb_sparse(x, row, col, w, N, W, b):
    # ChebConv K=3, sym normalization, lambda_max=2 => L_hat = -D^-1/2 A D^-1/2
    deg = jax.ops.segment_sum(w, row, num_segments=N)
    dinv = _safe_dinv(deg)
    wn = dinv[row] * w * dinv[col]
    def lmul(v):
        return -jax.ops.segment_sum(wn[:, None] * v[col], row, num_segments=N)
    Tx0 = x
    Tx1 = lmul(x)
    Tx2 = 2.0 * lmul(Tx1) - Tx0
    return Tx0 @ W[0] + Tx1 @ W[1] + Tx2 @ W[2] + b


def _cheb_dense(x, A, W, b):
    deg = A.sum(axis=1)
    dinv = _safe_dinv(deg)
    An = A * dinv[:, None] * dinv[None, :]
    Tx0 = x
    Tx1 = -(An @ x)
    Tx2 = -2.0 * (An @ Tx1) - Tx0
    return Tx0 @ W[0] + Tx1 @ W[1] + Tx2 @ W[2] + b


def _topk_pool(x, A, sw, n_per, ratio):
    # TopKPooling: score = sigmoid((x.w)/||w||), keep top ceil(ratio*n) per graph,
    # x' = x[perm]*score[perm], adjacency filtered to kept nodes
    N = x.shape[0]
    B = N // n_per
    score = jax.nn.sigmoid((x @ sw) / jnp.linalg.norm(sw))
    k = int(math.ceil(ratio * n_per))
    s = score.reshape(B, n_per)
    idx = jnp.argsort(-s, axis=1)[:, :k]
    perm = (idx + jnp.arange(B)[:, None] * n_per).reshape(-1)
    xp = x[perm] * score[perm][:, None]
    Ap = A[perm][:, perm]
    return xp, Ap, k


def _readout(x, B, k):
    xr = x.reshape(B, k, -1)
    return jnp.concatenate([xr.max(axis=1), xr.mean(axis=1)], axis=1)


def _normalize(x):
    return x / jnp.maximum(jnp.linalg.norm(x, axis=-1, keepdims=True), 1e-12)


def _graphconv(x, edge_index, edge_attr, batch, p):
    N = x.shape[0]
    B = batch.shape[0] // R
    n_per = N // B
    row, col = edge_index[0], edge_index[1]
    x = _cheb_sparse(x, row, col, edge_attr, N, p['conv1_W'], p['conv1_b'])
    A = jnp.zeros((N, N), jnp.float32).at[row, col].add(edge_attr)
    x, A, k1 = _topk_pool(x, A, p['pool1_w'], n_per, RATIO)
    x1 = _readout(x, B, k1)
    # augment_adj: add self loops, spspmm (A+I)@(A+I), remove self loops
    n1 = A.shape[0]
    Aaug = A + jnp.eye(n1, dtype=jnp.float32)
    A2 = Aaug @ Aaug
    A2 = A2 * (1.0 - jnp.eye(n1, dtype=jnp.float32))
    x = _cheb_dense(x, A2, p['conv2_W'], p['conv2_b'])
    x, A2, k2 = _topk_pool(x, A2, p['pool2_w'], k1, RATIO)
    x2 = _readout(x, B, k2)
    h = jnp.concatenate([x1, x2], axis=1)
    h = jax.nn.relu(h @ p['fc_W'] + p['fc_b'])
    mu = h.mean(axis=0)
    var = h.var(axis=0)
    h = (h - mu) / jnp.sqrt(var + 1e-5) * p['bn_g'] + p['bn_b']
    out = jax.nn.relu(h @ p['c1_W']) @ p['c2_W'] + p['c2_b']
    return _normalize(h), _normalize(out)


def reference(x1, edge_index1, edge_attr1, batch1, x2, edge_index2, edge_attr2, batch2, params):
    f1, o1 = _graphconv(x1, edge_index1, edge_attr1, batch1, params)
    f2, o2 = _graphconv(x2, edge_index2, edge_attr2, batch2, params)
    return (o1, o2, f1, f2)

if __name__ == "__main__":
    import jax
    _d = setup_inputs()
    print(jax.jit(kernel)(*tuple(_d.values())))

</pallas_src>

<mosaic_0001>
#map = affine_map<(d0, d1) -> (0, 0)>
#map1 = affine_map<(d0, d1) -> (0)>
module attributes {stable_mosaic.version = 14 : i64} {
  func.func @_adj_body(%arg0: i32, %arg1: i32, %arg2: memref<32x8064xi32, #tpu.memory_space<hbm>>, %arg3: memref<32x8064xf32, #tpu.memory_space<hbm>>, %arg4: memref<40000xf32, #tpu.memory_space<hbm>>, %arg5: memref<32x40000xf32, #tpu.memory_space<hbm>>, %arg6: memref<8064xi32, #tpu.memory_space<vmem>>, %arg7: memref<8064xf32, #tpu.memory_space<vmem>>, %arg8: memref<40000xf32, #tpu.memory_space<vmem>>, %arg9: memref<640128xf32, #tpu.memory_space<vmem_shared>>, %arg10: memref<!tpu.dma_semaphore, #tpu.memory_space<semaphore_mem>>) attributes {dimension_semantics = [#tpu.dimension_semantics<core_parallel>, #tpu.dimension_semantics<subcore_parallel>], iteration_bounds = array<i64: 2, 16>, scalar_prefetch = 0 : i64, scratch_operands = 5 : i64, tpu.core_type = #tpu.core_type<sc_vector_subcore>, window_params = [{transform_indices = #map}, {transform_indices = #map}, {transform_indices = #map1}, {transform_indices = #map}]} {
    %mul3A = arith.constant 16 : i32
    %mul3A_0 = arith.muli %arg0, %mul3A : i32
    %add3A = arith.addi %mul3A_0, %arg1 : i32
    %mul3A_1 = arith.constant 40008 : i32
    %mul3A_2 = arith.muli %arg1, %mul3A_1 : i32
    "tpu.region"() ({
      %run_scoped3A = tpu.sem_alloc : memref<!tpu.dma_semaphore, #tpu.memory_space<semaphore_mem>>
      %dma_start3A_5 = arith.constant 0 : i32
      %dma_start3A_6 = tpu.memref_slice %arg2[%add3A, %dma_start3A_5] : memref<32x8064xi32, #tpu.memory_space<hbm>> -> memref<1x8064xi32, #tpu.memory_space<hbm>>
      %dma_start3A_7 = tpu.memref_squeeze %dma_start3A_6 : memref<1x8064xi32, #tpu.memory_space<hbm>> -> memref<8064xi32, #tpu.memory_space<hbm>>
      %dma_start3A_8 = arith.constant 0 : i32
      %dma_start3A_9 = tpu.memref_slice %arg2[%add3A, %dma_start3A_8] : memref<32x8064xi32, #tpu.memory_space<hbm>> -> memref<1x8064xi32, #tpu.memory_space<hbm>>
      %dma_start3A_10 = tpu.memref_squeeze %dma_start3A_9 : memref<1x8064xi32, #tpu.memory_space<hbm>> -> memref<8064xi32, #tpu.memory_space<hbm>>
      tpu.enqueue_dma source(%dma_start3A_10 : memref<8064xi32, #tpu.memory_space<hbm>>) target(%arg6 : memref<8064xi32, #tpu.memory_space<vmem>>) target_semaphore(%run_scoped3A : memref<!tpu.dma_semaphore, #tpu.memory_space<semaphore_mem>>)
      %dma_wait3A_11 = arith.constant 0 : i32
      %dma_wait3A_12 = tpu.memref_slice %arg2[%add3A, %dma_wait3A_11] : memref<32x8064xi32, #tpu.memory_space<hbm>> -> memref<1x8064xi32, #tpu.memory_space<hbm>>
      %dma_wait3A_13 = tpu.memref_squeeze %dma_wait3A_12 : memref<1x8064xi32, #tpu.memory_space<hbm>> -> memref<8064xi32, #tpu.memory_space<hbm>>
      %dma_wait3A_14 = arith.constant 0 : i32
      %dma_wait3A_15 = tpu.memref_slice %arg2[%add3A, %dma_wait3A_14] : memref<32x8064xi32, #tpu.memory_space<hbm>> -> memref<1x8064xi32, #tpu.memory_space<hbm>>
      %dma_wait3A_16 = tpu.memref_squeeze %dma_wait3A_15 : memref<1x8064xi32, #tpu.memory_space<hbm>> -> memref<8064xi32, #tpu.memory_space<hbm>>
      tpu.wait_dma2 semaphore(%run_scoped3A : memref<!tpu.dma_semaphore, #tpu.memory_space<semaphore_mem>>) src(%dma_wait3A_16 : memref<8064xi32, #tpu.memory_space<hbm>>) dst(%arg6 : memref<8064xi32, #tpu.memory_space<vmem>>)
      tpu.yield
    }) : () -> ()
    "tpu.region"() ({
      %run_scoped3A = tpu.sem_alloc : memref<!tpu.dma_semaphore, #tpu.memory_space<semaphore_mem>>
      %dma_start3A_5 = arith.constant 0 : i32
      %dma_start3A_6 = tpu.memref_slice %arg3[%add3A, %dma_start3A_5] : memref<32x8064xf32, #tpu.memory_space<hbm>> -> memref<1x8064xf32, #tpu.memory_space<hbm>>
      %dma_start3A_7 = tpu.memref_squeeze %dma_start3A_6 : memref<1x8064xf32, #tpu.memory_space<hbm>> -> memref<8064xf32, #tpu.memory_space<hbm>>
      %dma_start3A_8 = arith.constant 0 : i32
      %dma_start3A_9 = tpu.memref_slice %arg3[%add3A, %dma_start3A_8] : memref<32x8064xf32, #tpu.memory_space<hbm>> -> memref<1x8064xf32, #tpu.memory_space<hbm>>
      %dma_start3A_10 = tpu.memref_squeeze %dma_start3A_9 : memref<1x8064xf32, #tpu.memory_space<hbm>> -> memref<8064xf32, #tpu.memory_space<hbm>>
      tpu.enqueue_dma source(%dma_start3A_10 : memref<8064xf32, #tpu.memory_space<hbm>>) target(%arg7 : memref<8064xf32, #tpu.memory_space<vmem>>) target_semaphore(%run_scoped3A : memref<!tpu.dma_semaphore, #tpu.memory_space<semaphore_mem>>)
      %dma_wait3A_11 = arith.constant 0 : i32
      %dma_wait3A_12 = tpu.memref_slice %arg3[%add3A, %dma_wait3A_11] : memref<32x8064xf32, #tpu.memory_space<hbm>> -> memref<1x8064xf32, #tpu.memory_space<hbm>>
      %dma_wait3A_13 = tpu.memref_squeeze %dma_wait3A_12 : memref<1x8064xf32, #tpu.memory_space<hbm>> -> memref<8064xf32, #tpu.memory_space<hbm>>
      %dma_wait3A_14 = arith.constant 0 : i32
      %dma_wait3A_15 = tpu.memref_slice %arg3[%add3A, %dma_wait3A_14] : memref<32x8064xf32, #tpu.memory_space<hbm>> -> memref<1x8064xf32, #tpu.memory_space<hbm>>
      %dma_wait3A_16 = tpu.memref_squeeze %dma_wait3A_15 : memref<1x8064xf32, #tpu.memory_space<hbm>> -> memref<8064xf32, #tpu.memory_space<hbm>>
      tpu.wait_dma2 semaphore(%run_scoped3A : memref<!tpu.dma_semaphore, #tpu.memory_space<semaphore_mem>>) src(%dma_wait3A_16 : memref<8064xf32, #tpu.memory_space<hbm>>) dst(%arg7 : memref<8064xf32, #tpu.memory_space<vmem>>)
      tpu.yield
    }) : () -> ()
    "tpu.region"() ({
      %run_scoped3A = tpu.sem_alloc : memref<!tpu.dma_semaphore, #tpu.memory_space<semaphore_mem>>
      tpu.enqueue_dma source(%arg4 : memref<40000xf32, #tpu.memory_space<hbm>>) target(%arg8 : memref<40000xf32, #tpu.memory_space<vmem>>) target_semaphore(%run_scoped3A : memref<!tpu.dma_semaphore, #tpu.memory_space<semaphore_mem>>)
      tpu.wait_dma2 semaphore(%run_scoped3A : memref<!tpu.dma_semaphore, #tpu.memory_space<semaphore_mem>>) src(%arg4 : memref<40000xf32, #tpu.memory_space<hbm>>) dst(%arg8 : memref<40000xf32, #tpu.memory_space<vmem>>)
      tpu.yield
    }) : () -> ()
    "tpu.region"() ({
      %run_scoped3A = tpu.sem_alloc : memref<!tpu.dma_semaphore, #tpu.memory_space<semaphore_mem>>
      %dma_start3A_5 = tpu.memref_slice %arg9[%mul3A_2] : memref<640128xf32, #tpu.memory_space<vmem_shared>> -> memref<40000xf32, #tpu.memory_space<vmem_shared>>
      %dma_start3A_6 = tpu.memref_slice %arg9[%mul3A_2] : memref<640128xf32, #tpu.memory_space<vmem_shared>> -> memref<40000xf32, #tpu.memory_space<vmem_shared>>
      tpu.enqueue_dma source(%arg8 : memref<40000xf32, #tpu.memory_space<vmem>>) target(%dma_start3A_6 : memref<40000xf32, #tpu.memory_space<vmem_shared>>) target_semaphore(%run_scoped3A : memref<!tpu.dma_semaphore, #tpu.memory_space<semaphore_mem>>)
      %dma_wait3A_7 = tpu.memref_slice %arg9[%mul3A_2] : memref<640128xf32, #tpu.memory_space<vmem_shared>> -> memref<40000xf32, #tpu.memory_space<vmem_shared>>
      %dma_wait3A_8 = tpu.memref_slice %arg9[%mul3A_2] : memref<640128xf32, #tpu.memory_space<vmem_shared>> -> memref<40000xf32, #tpu.memory_space<vmem_shared>>
      tpu.wait_dma2 semaphore(%run_scoped3A : memref<!tpu.dma_semaphore, #tpu.memory_space<semaphore_mem>>) src(%arg8 : memref<40000xf32, #tpu.memory_space<vmem>>) dst(%dma_wait3A_8 : memref<40000xf32, #tpu.memory_space<vmem_shared>>)
      tpu.yield
    }) : () -> ()
    %dma_start3A = arith.constant 0 : i32
    %dma_start3A_3 = tpu.memref_slice %arg9[%dma_start3A] : memref<640128xf32, #tpu.memory_space<vmem_shared>> -> memref<640128xf32, #tpu.memory_space<vmem_shared>>
    tpu.enqueue_indirect_dma source(%arg7 : memref<8064xf32, #tpu.memory_space<vmem>>) target(%dma_start3A_3 : memref<640128xf32, #tpu.memory_space<vmem_shared>>) offsets(%arg6 : memref<8064xi32, #tpu.memory_space<vmem>>) semaphore(%arg10 : memref<!tpu.dma_semaphore, #tpu.memory_space<semaphore_mem>>) {add = true}
    %dma_wait3A = arith.constant 0 : i32
    %dma_wait3A_4 = tpu.memref_slice %arg9[%dma_wait3A] : memref<640128xf32, #tpu.memory_space<vmem_shared>> -> memref<640128xf32, #tpu.memory_space<vmem_shared>>
    tpu.wait_indirect_dma semaphore(%arg10 : memref<!tpu.dma_semaphore, #tpu.memory_space<semaphore_mem>>) src(%arg7 : memref<8064xf32, #tpu.memory_space<vmem>>) dst(%dma_wait3A_4 : memref<640128xf32, #tpu.memory_space<vmem_shared>>)
    "tpu.region"() ({
      %run_scoped3A = tpu.sem_alloc : memref<!tpu.dma_semaphore, #tpu.memory_space<semaphore_mem>>
      %dma_start3A_5 = tpu.memref_slice %arg9[%mul3A_2] : memref<640128xf32, #tpu.memory_space<vmem_shared>> -> memref<40000xf32, #tpu.memory_space<vmem_shared>>
      %dma_start3A_6 = tpu.memref_slice %arg9[%mul3A_2] : memref<640128xf32, #tpu.memory_space<vmem_shared>> -> memref<40000xf32, #tpu.memory_space<vmem_shared>>
      tpu.enqueue_dma source(%dma_start3A_6 : memref<40000xf32, #tpu.memory_space<vmem_shared>>) target(%arg8 : memref<40000xf32, #tpu.memory_space<vmem>>) target_semaphore(%run_scoped3A : memref<!tpu.dma_semaphore, #tpu.memory_space<semaphore_mem>>)
      %dma_wait3A_7 = tpu.memref_slice %arg9[%mul3A_2] : memref<640128xf32, #tpu.memory_space<vmem_shared>> -> memref<40000xf32, #tpu.memory_space<vmem_shared>>
      %dma_wait3A_8 = tpu.memref_slice %arg9[%mul3A_2] : memref<640128xf32, #tpu.memory_space<vmem_shared>> -> memref<40000xf32, #tpu.memory_space<vmem_shared>>
      tpu.wait_dma2 semaphore(%run_scoped3A : memref<!tpu.dma_semaphore, #tpu.memory_space<semaphore_mem>>) src(%dma_wait3A_8 : memref<40000xf32, #tpu.memory_space<vmem_shared>>) dst(%arg8 : memref<40000xf32, #tpu.memory_space<vmem>>)
      tpu.yield
    }) : () -> ()
    "tpu.region"() ({
      %run_scoped3A = tpu.sem_alloc : memref<!tpu.dma_semaphore, #tpu.memory_space<semaphore_mem>>
      %dma_start3A_5 = arith.constant 0 : i32
      %dma_start3A_6 = tpu.memref_slice %arg5[%add3A, %dma_start3A_5] : memref<32x40000xf32, #tpu.memory_space<hbm>> -> memref<1x40000xf32, #tpu.memory_space<hbm>>
      %dma_start3A_7 = tpu.memref_squeeze %dma_start3A_6 : memref<1x40000xf32, #tpu.memory_space<hbm>> -> memref<40000xf32, #tpu.memory_space<hbm>>
      %dma_start3A_8 = arith.constant 0 : i32
      %dma_start3A_9 = tpu.memref_slice %arg5[%add3A, %dma_start3A_8] : memref<32x40000xf32, #tpu.memory_space<hbm>> -> memref<1x40000xf32, #tpu.memory_space<hbm>>
      %dma_start3A_10 = tpu.memref_squeeze %dma_start3A_9 : memref<1x40000xf32, #tpu.memory_space<hbm>> -> memref<40000xf32, #tpu.memory_space<hbm>>
      tpu.enqueue_dma source(%arg8 : memref<40000xf32, #tpu.memory_space<vmem>>) target(%dma_start3A_10 : memref<40000xf32, #tpu.memory_space<hbm>>) target_semaphore(%run_scoped3A : memref<!tpu.dma_semaphore, #tpu.memory_space<semaphore_mem>>)
      %dma_wait3A_11 = arith.constant 0 : i32
      %dma_wait3A_12 = tpu.memref_slice %arg5[%add3A, %dma_wait3A_11] : memref<32x40000xf32, #tpu.memory_space<hbm>> -> memref<1x40000xf32, #tpu.memory_space<hbm>>
      %dma_wait3A_13 = tpu.memref_squeeze %dma_wait3A_12 : memref<1x40000xf32, #tpu.memory_space<hbm>> -> memref<40000xf32, #tpu.memory_space<hbm>>
      %dma_wait3A_14 = arith.constant 0 : i32
      %dma_wait3A_15 = tpu.memref_slice %arg5[%add3A, %dma_wait3A_14] : memref<32x40000xf32, #tpu.memory_space<hbm>> -> memref<1x40000xf32, #tpu.memory_space<hbm>>
      %dma_wait3A_16 = tpu.memref_squeeze %dma_wait3A_15 : memref<1x40000xf32, #tpu.memory_space<hbm>> -> memref<40000xf32, #tpu.memory_space<hbm>>
      tpu.wait_dma2 semaphore(%run_scoped3A : memref<!tpu.dma_semaphore, #tpu.memory_space<semaphore_mem>>) src(%arg8 : memref<40000xf32, #tpu.memory_space<vmem>>) dst(%dma_wait3A_16 : memref<40000xf32, #tpu.memory_space<hbm>>)
      tpu.yield
    }) : () -> ()
    return
  }
}

module attributes {stable_mosaic.version = 14 : i64} {
  func.func @_graph_body(%arg0: i32, %arg1: memref<1x200x200xf32, #tpu.memory_space<vmem>>, %arg2: memref<1x200x200xf32, #tpu.memory_space<vmem>>, %arg3: memref<600x64xf32, #tpu.memory_space<vmem>>, %arg4: memref<1x64xf32, #tpu.memory_space<vmem>>, %arg5: memref<1x64xf32, #tpu.memory_space<vmem>>, %arg6: memref<192x64xf32, #tpu.memory_space<vmem>>, %arg7: memref<1x64xf32, #tpu.memory_space<vmem>>, %arg8: memref<1x64xf32, #tpu.memory_space<vmem>>, %arg9: memref<1x1x256xf32, #tpu.memory_space<vmem>>) attributes {dimension_semantics = [#tpu.dimension_semantics<arbitrary>], iteration_bounds = array<i64: 32>, scalar_prefetch = 0 : i64, scratch_operands = 0 : i64, tpu.core_type = #tpu.core_type<tc>, window_params = [{transform_indices = @transform_0, window_bounds = array<i64: 1, 200, 200>}, {transform_indices = @transform_1, window_bounds = array<i64: 1, 200, 200>}, {pipeline_mode = #tpu.pipeline_mode<synchronous>, transform_indices = @transform_2, window_bounds = array<i64: 600, 64>}, {pipeline_mode = #tpu.pipeline_mode<synchronous>, transform_indices = @transform_3, window_bounds = array<i64: 1, 64>}, {pipeline_mode = #tpu.pipeline_mode<synchronous>, transform_indices = @transform_4, window_bounds = array<i64: 1, 64>}, {pipeline_mode = #tpu.pipeline_mode<synchronous>, transform_indices = @transform_5, window_bounds = array<i64: 192, 64>}, {pipeline_mode = #tpu.pipeline_mode<synchronous>, transform_indices = @transform_6, window_bounds = array<i64: 1, 64>}, {pipeline_mode = #tpu.pipeline_mode<synchronous>, transform_indices = @transform_7, window_bounds = array<i64: 1, 64>}, {transform_indices = @transform_8, window_bounds = array<i64: 1, 1, 256>}]} {
    %iota3A = tpu.iota {dimensions = array<i32: 0>} : vector<100x100xi32>
    %iota3A_0 = tpu.iota {dimensions = array<i32: 1>} : vector<100x100xi32>
    %eq3A = arith.cmpi eq, %iota3A, %iota3A_0 : vector<100x100xi32>
    %convert_element_type3A = arith.extui %eq3A : vector<100x100xi1> to vector<100x100xi32>
    %convert_element_type3A_1 = arith.sitofp %convert_element_type3A : vector<100x100xi32> to vector<100x100xf32>
    %get3A = arith.constant 0 : index
    %get3A_2 = arith.constant 0 : index
    %get3A_3 = arith.constant 0 : index
    %get3A_4 = vector.load %arg1[%get3A, %get3A_2, %get3A_3] : memref<1x200x200xf32, #tpu.memory_space<vmem>>, vector<1x200x200xf32>
    %get3A_5 = vector.shape_cast %get3A_4 : vector<1x200x200xf32> to vector<200x200xf32>
    %get3A_6 = arith.constant 0 : index
    %get3A_7 = arith.constant 0 : index
    %get3A_8 = arith.constant 0 : index
    %get3A_9 = vector.load %arg2[%get3A_6, %get3A_7, %get3A_8] : memref<1x200x200xf32, #tpu.memory_space<vmem>>, vector<1x200x200xf32>
    %get3A_10 = vector.shape_cast %get3A_9 : vector<1x200x200xf32> to vector<200x200xf32>
    %reduce_sum3A = arith.constant dense<0.000000e+00> : vector<200xf32>
    %reduce_sum3A_11 = vector.multi_reduction <add>, %get3A_5, %reduce_sum3A [1] : vector<200x200xf32> to vector<200xf32>
    %broadcast_in_dim3A = vector.shape_cast %reduce_sum3A_11 : vector<200xf32> to vector<200x1xf32>
    %gt3A = arith.constant 0.000000e+00 : f32
    %gt3A_12 = vector.broadcast %gt3A : f32 to vector<200x1xf32>
    %gt3A_13 = arith.cmpf ogt, %broadcast_in_dim3A, %gt3A_12 : vector<200x1xf32>
    %jit3A = arith.constant 1.000000e+00 : f32
    %broadcast_in_dim3A_14 = vector.broadcast %jit3A : f32 to vector<200x1xf32>
    %select_n3A = arith.select %gt3A_13, %broadcast_in_dim3A, %broadcast_in_dim3A_14 : vector<200x1xi1>, vector<200x1xf32>
    %rsqrt3A = math.rsqrt %select_n3A : vector<200x1xf32>
    %jit3A_15 = arith.constant 0.000000e+00 : f32
    %broadcast_in_dim3A_16 = vector.broadcast %jit3A_15 : f32 to vector<200x1xf32>
    %select_n3A_17 = arith.select %gt3A_13, %rsqrt3A, %broadcast_in_dim3A_16 : vector<200x1xi1>, vector<200x1xf32>
    %mul3A = vector.broadcast %select_n3A_17 : vector<200x1xf32> to vector<200x200xf32>
    %mul3A_18 = arith.mulf %get3A_5, %mul3A : vector<200x200xf32>
    %transpose3A = tpu.transpose %select_n3A_17, [1, 0] : vector<200x1xf32> -> vector<1x200xf32>
    %mul3A_19 = vector.broadcast %transpose3A : vector<1x200xf32> to vector<200x200xf32>
    %mul3A_20 = arith.mulf %mul3A_18, %mul3A_19 : vector<200x200xf32>
    %get3A_21 = arith.constant 0 : index
    %get3A_22 = arith.constant 0 : index
    %get3A_23 = vector.load %arg3[%get3A_21, %get3A_22] : memref<600x64xf32, #tpu.memory_space<vmem>>, vector<600x64xf32>
    %get3A_24 = arith.constant 0 : index
    %get3A_25 = arith.constant 0 : index
    %get3A_26 = vector.load %arg4[%get3A_24, %get3A_25] : memref<1x64xf32, #tpu.memory_space<vmem>>, vector<1x64xf32>
    %dot_general3A = arith.constant dense<0.000000e+00> : vector<200x200xf32>
    %dot_general3A_27 = tpu.matmul %mul3A_20, %get3A_10, %dot_general3A {dimension_numbers = #tpu.dot_dimension_numbers<[1], [0], [0], [1], [0, 0, 1, 1], [], []>, precision = #tpu.contract_precision<fp32>, transpose_lhs_hint = false} : vector<200x200xf32>, vector<200x200xf32>, vector<200x200xf32> -> vector<200x200xf32>
    %neg3A = arith.constant 0.000000e+00 : f32
    %neg3A_28 = vector.broadcast %neg3A : f32 to vector<200x200xf32>
    %neg3A_29 = arith.subf %neg3A_28, %dot_general3A_27 : vector<200x200xf32>
    %dot_general3A_30 = arith.constant dense<0.000000e+00> : vector<200x200xf32>
    %dot_general3A_31 = tpu.matmul %mul3A_20, %neg3A_29, %dot_general3A_30 {dimension_numbers = #tpu.dot_dimension_numbers<[1], [0], [0], [1], [0, 0, 1, 1], [], []>, precision = #tpu.contract_precision<fp32>, transpose_lhs_hint = false} : vector<200x200xf32>, vector<200x200xf32>, vector<200x200xf32> -> vector<200x200xf32>
    %mul3A_32 = arith.constant -2.000000e+00 : f32
    %mul3A_33 = vector.broadcast %mul3A_32 : f32 to vector<200x200xf32>
    %mul3A_34 = arith.mulf %mul3A_33, %dot_general3A_31 : vector<200x200xf32>
    %sub3A = arith.subf %mul3A_34, %get3A_10 : vector<200x200xf32>
    %slice3A = vector.extract_strided_slice %get3A_23 {offsets = [0, 0], sizes = [200, 64], strides = [1, 1]} : vector<600x64xf32> to vector<200x64xf32>
    %convert_element_type3A_35 = arith.truncf %get3A_10 : vector<200x200xf32> to vector<200x200xbf16>
    %convert_element_type3A_36 = arith.truncf %slice3A : vector<200x64xf32> to vector<200x64xbf16>
    %dot_general3A_37 = arith.constant dense<0.000000e+00> : vector<200x64xf32>
    %dot_general3A_38 = tpu.matmul %convert_element_type3A_35, %convert_element_type3A_36, %dot_general3A_37 {dimension_numbers = #tpu.dot_dimension_numbers<[1], [0], [0], [1], [0, 0, 1, 1], [], []>, transpose_lhs_hint = false} : vector<200x200xbf16>, vector<200x64xbf16>, vector<200x64xf32> -> vector<200x64xf32>
    %slice3A_39 = vector.extract_strided_slice %get3A_23 {offsets = [200, 0], sizes = [200, 64], strides = [1, 1]} : vector<600x64xf32> to vector<200x64xf32>
    %convert_element_type3A_40 = arith.truncf %neg3A_29 : vector<200x200xf32> to vector<200x200xbf16>
    %convert_element_type3A_41 = arith.truncf %slice3A_39 : vector<200x64xf32> to vector<200x64xbf16>
    %dot_general3A_42 = arith.constant dense<0.000000e+00> : vector<200x64xf32>
    %dot_general3A_43 = tpu.matmul %convert_element_type3A_40, %convert_element_type3A_41, %dot_general3A_42 {dimension_numbers = #tpu.dot_dimension_numbers<[1], [0], [0], [1], [0, 0, 1, 1], [], []>, transpose_lhs_hint = false} : vector<200x200xbf16>, vector<200x64xbf16>, vector<200x64xf32> -> vector<200x64xf32>
    %add3A = arith.addf %dot_general3A_38, %dot_general3A_43 : vector<200x64xf32>
    %slice3A_44 = vector.extract_strided_slice %get3A_23 {offsets = [400, 0], sizes = [200, 64], strides = [1, 1]} : vector<600x64xf32> to vector<200x64xf32>
    %convert_element_type3A_45 = arith.truncf %sub3A : vector<200x200xf32> to vector<200x200xbf16>
    %convert_element_type3A_46 = arith.truncf %slice3A_44 : vector<200x64xf32> to vector<200x64xbf16>
    %dot_general3A_47 = arith.constant dense<0.000000e+00> : vector<200x64xf32>
    %dot_general3A_48 = tpu.matmul %convert_element_type3A_45, %convert_element_type3A_46, %dot_general3A_47 {dimension_numbers = #tpu.dot_dimension_numbers<[1], [0], [0], [1], [0, 0, 1, 1], [], []>, transpose_lhs_hint = false} : vector<200x200xbf16>, vector<200x64xbf16>, vector<200x64xf32> -> vector<200x64xf32>
    %add3A_49 = arith.addf %add3A, %dot_general3A_48 : vector<200x64xf32>
    %add3A_50 = vector.broadcast %get3A_26 : vector<1x64xf32> to vector<200x64xf32>
    %add3A_51 = arith.addf %add3A_49, %add3A_50 : vector<200x64xf32>
    %get3A_52 = arith.constant 0 : index
    %get3A_53 = arith.constant 0 : index
    %get3A_54 = vector.load %arg5[%get3A_52, %get3A_53] : memref<1x64xf32, #tpu.memory_space<vmem>>, vector<1x64xf32>
    %mul3A_55 = arith.mulf %get3A_54, %get3A_54 : vector<1x64xf32>
    %reduce_sum3A_56 = vector.shape_cast %mul3A_55 : vector<1x64xf32> to vector<1x1x64xf32>
    %reduce_sum3A_57 = arith.constant dense<0.000000e+00> : vector<1xf32>
    %reduce_sum3A_58 = vector.multi_reduction <add>, %reduce_sum3A_56, %reduce_sum3A_57 [1, 2] : vector<1x1x64xf32> to vector<1xf32>
    %reduce_sum3A_59 = vector.shape_cast %reduce_sum3A_58 : vector<1xf32> to vector<1x1x1xf32>
    %reduce_sum3A_60 = vector.extract %reduce_sum3A_59[0, 0, 0] : f32 from vector<1x1x1xf32>
    %sqrt3A = math.sqrt %reduce_sum3A_60 : f32
    %transpose3A_61 = tpu.transpose %get3A_54, [1, 0] : vector<1x64xf32> -> vector<64x1xf32>
    %convert_element_type3A_62 = arith.truncf %add3A_51 : vector<200x64xf32> to vector<200x64xbf16>
    %convert_element_type3A_63 = arith.truncf %transpose3A_61 : vector<64x1xf32> to vector<64x1xbf16>
    %dot_general3A_64 = arith.constant dense<0.000000e+00> : vector<200x1xf32>
    %dot_general3A_65 = tpu.matmul %convert_element_type3A_62, %convert_element_type3A_63, %dot_general3A_64 {dimension_numbers = #tpu.dot_dimension_numbers<[1], [0], [0], [1], [0, 0, 1, 1], [], []>, transpose_lhs_hint = false} : vector<200x64xbf16>, vector<64x1xbf16>, vector<200x1xf32> -> vector<200x1xf32>
    %div3A = vector.broadcast %sqrt3A : f32 to vector<200x1xf32>
    %div3A_66 = arith.divf %dot_general3A_65, %div3A : vector<200x1xf32>
    %neg3A_67 = arith.constant 0.000000e+00 : f32
    %neg3A_68 = vector.broadcast %neg3A_67 : f32 to vector<200x1xf32>
    %neg3A_69 = arith.subf %neg3A_68, %div3A_66 : vector<200x1xf32>
    %exp3A = math.exp %neg3A_69 : vector<200x1xf32>
    %add3A_70 = arith.constant 1.000000e+00 : f32
    %add3A_71 = vector.broadcast %add3A_70 : f32 to vector<200x1xf32>
    %add3A_72 = arith.addf %add3A_71, %exp3A : vector<200x1xf32>
    %div3A_73 = arith.constant 1.000000e+00 : f32
    %div3A_74 = vector.broadcast %div3A_73 : f32 to vector<200x1xf32>
    %div3A_75 = arith.divf %div3A_74, %add3A_72 : vector<200x1xf32>
    %iota3A_76 = tpu.iota {dimensions = array<i32: 0>} : vector<200x200xi32>
    %iota3A_77 = tpu.iota {dimensions = array<i32: 1>} : vector<200x200xi32>
    %transpose3A_78 = tpu.transpose %div3A_75, [1, 0] : vector<200x1xf32> -> vector<1x200xf32>
    %gt3A_79 = vector.broadcast %transpose3A_78 : vector<1x200xf32> to vector<200x200xf32>
    %gt3A_80 = vector.broadcast %div3A_75 : vector<200x1xf32> to vector<200x200xf32>
    %gt3A_81 = arith.cmpf ogt, %gt3A_79, %gt3A_80 : vector<200x200xf32>
    %eq3A_82 = vector.broadcast %transpose3A_78 : vector<1x200xf32> to vector<200x200xf32>
    %eq3A_83 = vector.broadcast %div3A_75 : vector<200x1xf32> to vector<200x200xf32>
    %eq3A_84 = arith.cmpf oeq, %eq3A_82, %eq3A_83 : vector<200x200xf32>
    %lt3A = arith.cmpi slt, %iota3A_77, %iota3A_76 : vector<200x200xi32>
    %and3A = arith.andi %eq3A_84, %lt3A : vector<200x200xi1>
    %or3A = arith.ori %gt3A_81, %and3A : vector<200x200xi1>
    %convert_element_type3A_85 = arith.extui %or3A : vector<200x200xi1> to vector<200x200xi32>
    %convert_element_type3A_86 = arith.sitofp %convert_element_type3A_85 : vector<200x200xi32> to vector<200x200xf32>
    %reduce_sum3A_87 = arith.constant dense<0.000000e+00> : vector<200xf32>
    %reduce_sum3A_88 = vector.multi_reduction <add>, %convert_element_type3A_86, %reduce_sum3A_87 [1] : vector<200x200xf32> to vector<200xf32>
    %broadcast_in_dim3A_89 = vector.shape_cast %reduce_sum3A_88 : vector<200xf32> to vector<200x1xf32>
    %iota3A_90 = tpu.iota {dimensions = array<i32: 0>} : vector<100x1xi32>
    %convert_element_type3A_91 = arith.sitofp %iota3A_90 : vector<100x1xi32> to vector<100x1xf32>
    %transpose3A_92 = tpu.transpose %broadcast_in_dim3A_89, [1, 0] : vector<200x1xf32> -> vector<1x200xf32>
    %eq3A_93 = vector.broadcast %convert_element_type3A_91 : vector<100x1xf32> to vector<100x200xf32>
    %eq3A_94 = vector.broadcast %transpose3A_92 : vector<1x200xf32> to vector<100x200xf32>
    %eq3A_95 = arith.cmpf oeq, %eq3A_93, %eq3A_94 : vector<100x200xf32>
    %convert_element_type3A_96 = arith.extui %eq3A_95 : vector<100x200xi1> to vector<100x200xi32>
    %convert_element_type3A_97 = arith.sitofp %convert_element_type3A_96 : vector<100x200xi32> to vector<100x200xf32>
    %iota3A_98 = tpu.iota {dimensions = array<i32: 1>} : vector<1x100xi32>
    %convert_element_type3A_99 = arith.sitofp %iota3A_98 : vector<1x100xi32> to vector<1x100xf32>
    %eq3A_100 = vector.broadcast %broadcast_in_dim3A_89 : vector<200x1xf32> to vector<200x100xf32>
    %eq3A_101 = vector.broadcast %convert_element_type3A_99 : vector<1x100xf32> to vector<200x100xf32>
    %eq3A_102 = arith.cmpf oeq, %eq3A_100, %eq3A_101 : vector<200x100xf32>
    %convert_element_type3A_103 = arith.extui %eq3A_102 : vector<200x100xi1> to vector<200x100xi32>
    %convert_element_type3A_104 = arith.sitofp %convert_element_type3A_103 : vector<200x100xi32> to vector<200x100xf32>
    %mul3A_105 = vector.broadcast %div3A_75 : vector<200x1xf32> to vector<200x64xf32>
    %mul3A_106 = arith.mulf %add3A_51, %mul3A_105 : vector<200x64xf32>
    %dot_general3A_107 = arith.constant dense<0.000000e+00> : vector<100x64xf32>
    %dot_general3A_108 = tpu.matmul %convert_element_type3A_97, %mul3A_106, %dot_general3A_107 {dimension_numbers = #tpu.dot_dimension_numbers<[1], [0], [0], [1], [0, 0, 1, 1], [], []>, precision = #tpu.contract_precision<fp32>, transpose_lhs_hint = false} : vector<100x200xf32>, vector<200x64xf32>, vector<100x64xf32> -> vector<100x64xf32>
    %dot_general3A_109 = arith.constant dense<0.000000e+00> : vector<200x100xf32>
    %dot_general3A_110 = tpu.matmul %get3A_5, %convert_element_type3A_104, %dot_general3A_109 {dimension_numbers = #tpu.dot_dimension_numbers<[1], [0], [0], [1], [0, 0, 1, 1], [], []>, precision = #tpu.contract_precision<fp32>, transpose_lhs_hint = false} : vector<200x200xf32>, vector<200x100xf32>, vector<200x100xf32> -> vector<200x100xf32>
    %dot_general3A_111 = arith.constant dense<0.000000e+00> : vector<100x100xf32>
    %dot_general3A_112 = tpu.matmul %convert_element_type3A_97, %dot_general3A_110, %dot_general3A_111 {dimension_numbers = #tpu.dot_dimension_numbers<[1], [0], [0], [1], [0, 0, 1, 1], [], []>, precision = #tpu.contract_precision<fp32>, transpose_lhs_hint = false} : vector<100x200xf32>, vector<200x100xf32>, vector<100x100xf32> -> vector<100x100xf32>
    %reduce_max3A = arith.constant dense<0xFF800000> : vector<64xf32>
    %reduce_max3A_113 = vector.multi_reduction <maximumf>, %dot_general3A_108, %reduce_max3A [0] : vector<100x64xf32> to vector<64xf32>
    %broadcast_in_dim3A_114 = vector.shape_cast %reduce_max3A_113 : vector<64xf32> to vector<1x64xf32>
    %swap3A = arith.constant 0 : index
    %swap3A_115 = arith.constant 0 : index
    %swap3A_116 = arith.constant 0 : index
    %swap3A_117 = vector.load %arg9[%swap3A, %swap3A_115, %swap3A_116] : memref<1x1x256xf32, #tpu.memory_space<vmem>>, vector<1x1x64xf32>
    %swap3A_118 = vector.shape_cast %swap3A_117 : vector<1x1x64xf32> to vector<1x64xf32>
    %swap3A_119 = vector.shape_cast %broadcast_in_dim3A_114 : vector<1x64xf32> to vector<1x1x64xf32>
    tpu.vector_store %arg9[%swap3A, %swap3A_115, %swap3A_116], %swap3A_119 {strides = array<i32>} : memref<1x1x256xf32, #tpu.memory_space<vmem>>, vector<1x1x64xf32>,
    %reduce_sum3A_120 = arith.constant dense<0.000000e+00> : vector<64xf32>
    %reduce_sum3A_121 = vector.multi_reduction <add>, %dot_general3A_108, %reduce_sum3A_120 [0] : vector<100x64xf32> to vector<64xf32>
    %broadcast_in_dim3A_122 = vector.shape_cast %reduce_sum3A_121 : vector<64xf32> to vector<1x64xf32>
    %div3A_123 = arith.constant 1.000000e+02 : f32
    %div3A_124 = vector.broadcast %div3A_123 : f32 to vector<1x64xf32>
    %div3A_125 = arith.divf %broadcast_in_dim3A_122, %div3A_124 : vector<1x64xf32>
    %swap3A_126 = arith.constant 0 : index
    %swap3A_127 = arith.constant 0 : index
    %swap3A_128 = arith.constant 64 : index
    %swap3A_129 = vector.load %arg9[%swap3A_126, %swap3A_127, %swap3A_128] : memref<1x1x256xf32, #tpu.memory_space<vmem>>, vector<1x1x64xf32>
    %swap3A_130 = vector.shape_cast %swap3A_129 : vector<1x1x64xf32> to vector<1x64xf32>
    %swap3A_131 = vector.shape_cast %div3A_125 : vector<1x64xf32> to vector<1x1x64xf32>
    tpu.vector_store %arg9[%swap3A_126, %swap3A_127, %swap3A_128], %swap3A_131 {strides = array<i32>} : memref<1x1x256xf32, #tpu.memory_space<vmem>>, vector<1x1x64xf32>,
    %add3A_132 = arith.addf %dot_general3A_112, %convert_element_type3A_1 : vector<100x100xf32>
    %convert_element_type3A_133 = arith.truncf %add3A_132 : vector<100x100xf32> to vector<100x100xbf16>
    %convert_element_type3A_134 = arith.truncf %add3A_132 : vector<100x100xf32> to vector<100x100xbf16>
    %dot_general3A_135 = arith.constant dense<0.000000e+00> : vector<100x100xf32>
    %dot_general3A_136 = tpu.matmul %convert_element_type3A_133, %convert_element_type3A_134, %dot_general3A_135 {dimension_numbers = #tpu.dot_dimension_numbers<[1], [0], [0], [1], [0, 0, 1, 1], [], []>, transpose_lhs_hint = false} : vector<100x100xbf16>, vector<100x100xbf16>, vector<100x100xf32> -> vector<100x100xf32>
    %sub3A_137 = arith.constant 1.000000e+00 : f32
    %sub3A_138 = vector.broadcast %sub3A_137 : f32 to vector<100x100xf32>
    %sub3A_139 = arith.subf %sub3A_138, %convert_element_type3A_1 : vector<100x100xf32>
    %mul3A_140 = arith.mulf %dot_general3A_136, %sub3A_139 : vector<100x100xf32>
    %reduce_sum3A_141 = arith.constant dense<0.000000e+00> : vector<100xf32>
    %reduce_sum3A_142 = vector.multi_reduction <add>, %mul3A_140, %reduce_sum3A_141 [1] : vector<100x100xf32> to vector<100xf32>
    %broadcast_in_dim3A_143 = vector.shape_cast %reduce_sum3A_142 : vector<100xf32> to vector<100x1xf32>
    %gt3A_144 = arith.constant 0.000000e+00 : f32
    %gt3A_145 = vector.broadcast %gt3A_144 : f32 to vector<100x1xf32>
    %gt3A_146 = arith.cmpf ogt, %broadcast_in_dim3A_143, %gt3A_145 : vector<100x1xf32>
    %jit3A_147 = arith.constant 1.000000e+00 : f32
    %broadcast_in_dim3A_148 = vector.broadcast %jit3A_147 : f32 to vector<100x1xf32>
    %select_n3A_149 = arith.select %gt3A_146, %broadcast_in_dim3A_143, %broadcast_in_dim3A_148 : vector<100x1xi1>, vector<100x1xf32>
    %rsqrt3A_150 = math.rsqrt %select_n3A_149 : vector<100x1xf32>
    %jit3A_151 = arith.constant 0.000000e+00 : f32
    %broadcast_in_dim3A_152 = vector.broadcast %jit3A_151 : f32 to vector<100x1xf32>
    %select_n3A_153 = arith.select %gt3A_146, %rsqrt3A_150, %broadcast_in_dim3A_152 : vector<100x1xi1>, vector<100x1xf32>
    %mul3A_154 = vector.broadcast %select_n3A_153 : vector<100x1xf32> to vector<100x100xf32>
    %mul3A_155 = arith.mulf %mul3A_140, %mul3A_154 : vector<100x100xf32>
    %transpose3A_156 = tpu.transpose %select_n3A_153, [1, 0] : vector<100x1xf32> -> vector<1x100xf32>
    %mul3A_157 = vector.broadcast %transpose3A_156 : vector<1x100xf32> to vector<100x100xf32>
    %mul3A_158 = arith.mulf %mul3A_155, %mul3A_157 : vector<100x100xf32>
    %get3A_159 = arith.constant 0 : index
    %get3A_160 = arith.constant 0 : index
    %get3A_161 = vector.load %arg6[%get3A_159, %get3A_160] : memref<192x64xf32, #tpu.memory_space<vmem>>, vector<192x64xf32>
    %get3A_162 = arith.constant 0 : index
    %get3A_163 = arith.constant 0 : index
    %get3A_164 = vector.load %arg7[%get3A_162, %get3A_163] : memref<1x64xf32, #tpu.memory_space<vmem>>, vector<1x64xf32>
    %convert_element_type3A_165 = arith.truncf %mul3A_158 : vector<100x100xf32> to vector<100x100xbf16>
    %convert_element_type3A_166 = arith.truncf %dot_general3A_108 : vector<100x64xf32> to vector<100x64xbf16>
    %dot_general3A_167 = arith.constant dense<0.000000e+00> : vector<100x64xf32>
    %dot_general3A_168 = tpu.matmul %convert_element_type3A_165, %convert_element_type3A_166, %dot_general3A_167 {dimension_numbers = #tpu.dot_dimension_numbers<[1], [0], [0], [1], [0, 0, 1, 1], [], []>, transpose_lhs_hint = false} : vector<100x100xbf16>, vector<100x64xbf16>, vector<100x64xf32> -> vector<100x64xf32>
    %neg3A_169 = arith.constant 0.000000e+00 : f32
    %neg3A_170 = vector.broadcast %neg3A_169 : f32 to vector<100x64xf32>
    %neg3A_171 = arith.subf %neg3A_170, %dot_general3A_168 : vector<100x64xf32>
    %convert_element_type3A_172 = arith.truncf %mul3A_158 : vector<100x100xf32> to vector<100x100xbf16>
    %convert_element_type3A_173 = arith.truncf %neg3A_171 : vector<100x64xf32> to vector<100x64xbf16>
    %dot_general3A_174 = arith.constant dense<0.000000e+00> : vector<100x64xf32>
    %dot_general3A_175 = tpu.matmul %convert_element_type3A_172, %convert_element_type3A_173, %dot_general3A_174 {dimension_numbers = #tpu.dot_dimension_numbers<[1], [0], [0], [1], [0, 0, 1, 1], [], []>, transpose_lhs_hint = false} : vector<100x100xbf16>, vector<100x64xbf16>, vector<100x64xf32> -> vector<100x64xf32>
    %mul3A_176 = arith.constant -2.000000e+00 : f32
    %mul3A_177 = vector.broadcast %mul3A_176 : f32 to vector<100x64xf32>
    %mul3A_178 = arith.mulf %mul3A_177, %dot_general3A_175 : vector<100x64xf32>
    %sub3A_179 = arith.subf %mul3A_178, %dot_general3A_108 : vector<100x64xf32>
    %slice3A_180 = vector.extract_strided_slice %get3A_161 {offsets = [0, 0], sizes = [64, 64], strides = [1, 1]} : vector<192x64xf32> to vector<64x64xf32>
    %convert_element_type3A_181 = arith.truncf %dot_general3A_108 : vector<100x64xf32> to vector<100x64xbf16>
    %convert_element_type3A_182 = arith.truncf %slice3A_180 : vector<64x64xf32> to vector<64x64xbf16>
    %dot_general3A_183 = arith.constant dense<0.000000e+00> : vector<100x64xf32>
    %dot_general3A_184 = tpu.matmul %convert_element_type3A_181, %convert_element_type3A_182, %dot_general3A_183 {dimension_numbers = #tpu.dot_dimension_numbers<[1], [0], [0], [1], [0, 0, 1, 1], [], []>, transpose_lhs_hint = false} : vector<100x64xbf16>, vector<64x64xbf16>, vector<100x64xf32> -> vector<100x64xf32>
    %slice3A_185 = vector.extract_strided_slice %get3A_161 {offsets = [64, 0], sizes = [64, 64], strides = [1, 1]} : vector<192x64xf32> to vector<64x64xf32>
    %convert_element_type3A_186 = arith.truncf %neg3A_171 : vector<100x64xf32> to vector<100x64xbf16>
    %convert_element_type3A_187 = arith.truncf %slice3A_185 : vector<64x64xf32> to vector<64x64xbf16>
    %dot_general3A_188 = arith.constant dense<0.000000e+00> : vector<100x64xf32>
    %dot_general3A_189 = tpu.matmul %convert_element_type3A_186, %convert_element_type3A_187, %dot_general3A_188 {dimension_numbers = #tpu.dot_dimension_numbers<[1], [0], [0], [1], [0, 0, 1, 1], [], []>, transpose_lhs_hint = false} : vector<100x64xbf16>, vector<64x64xbf16>, vector<100x64xf32> -> vector<100x64xf32>
    %add3A_190 = arith.addf %dot_general3A_184, %dot_general3A_189 : vector<100x64xf32>
    %slice3A_191 = vector.extract_strided_slice %get3A_161 {offsets = [128, 0], sizes = [64, 64], strides = [1, 1]} : vector<192x64xf32> to vector<64x64xf32>
    %convert_element_type3A_192 = arith.truncf %sub3A_179 : vector<100x64xf32> to vector<100x64xbf16>
    %convert_element_type3A_193 = arith.truncf %slice3A_191 : vector<64x64xf32> to vector<64x64xbf16>
    %dot_general3A_194 = arith.constant dense<0.000000e+00> : vector<100x64xf32>
    %dot_general3A_195 = tpu.matmul %convert_element_type3A_192, %convert_element_type3A_193, %dot_general3A_194 {dimension_numbers = #tpu.dot_dimension_numbers<[1], [0], [0], [1], [0, 0, 1, 1], [], []>, transpose_lhs_hint = false} : vector<100x64xbf16>, vector<64x64xbf16>, vector<100x64xf32> -> vector<100x64xf32>
    %add3A_196 = arith.addf %add3A_190, %dot_general3A_195 : vector<100x64xf32>
    %add3A_197 = vector.broadcast %get3A_164 : vector<1x64xf32> to vector<100x64xf32>
    %add3A_198 = arith.addf %add3A_196, %add3A_197 : vector<100x64xf32>
    %get3A_199 = arith.constant 0 : index
    %get3A_200 = arith.constant 0 : index
    %get3A_201 = vector.load %arg8[%get3A_199, %get3A_200] : memref<1x64xf32, #tpu.memory_space<vmem>>, vector<1x64xf32>
    %mul3A_202 = arith.mulf %get3A_201, %get3A_201 : vector<1x64xf32>
    %reduce_sum3A_203 = vector.shape_cast %mul3A_202 : vector<1x64xf32> to vector<1x1x64xf32>
    %reduce_sum3A_204 = arith.constant dense<0.000000e+00> : vector<1xf32>
    %reduce_sum3A_205 = vector.multi_reduction <add>, %reduce_sum3A_203, %reduce_sum3A_204 [1, 2] : vector<1x1x64xf32> to vector<1xf32>
    %reduce_sum3A_206 = vector.shape_cast %reduce_sum3A_205 : vector<1xf32> to vector<1x1x1xf32>
    %reduce_sum3A_207 = vector.extract %reduce_sum3A_206[0, 0, 0] : f32 from vector<1x1x1xf32>
    %sqrt3A_208 = math.sqrt %reduce_sum3A_207 : f32
    %transpose3A_209 = tpu.transpose %get3A_201, [1, 0] : vector<1x64xf32> -> vector<64x1xf32>
    %convert_element_type3A_210 = arith.truncf %add3A_198 : vector<100x64xf32> to vector<100x64xbf16>
    %convert_element_type3A_211 = arith.truncf %transpose3A_209 : vector<64x1xf32> to vector<64x1xbf16>
    %dot_general3A_212 = arith.constant dense<0.000000e+00> : vector<100x1xf32>
    %dot_general3A_213 = tpu.matmul %convert_element_type3A_210, %convert_element_type3A_211, %dot_general3A_212 {dimension_numbers = #tpu.dot_dimension_numbers<[1], [0], [0], [1], [0, 0, 1, 1], [], []>, transpose_lhs_hint = false} : vector<100x64xbf16>, vector<64x1xbf16>, vector<100x1xf32> -> vector<100x1xf32>
    %div3A_214 = vector.broadcast %sqrt3A_208 : f32 to vector<100x1xf32>
    %div3A_215 = arith.divf %dot_general3A_213, %div3A_214 : vector<100x1xf32>
    %neg3A_216 = arith.constant 0.000000e+00 : f32
    %neg3A_217 = vector.broadcast %neg3A_216 : f32 to vector<100x1xf32>
    %neg3A_218 = arith.subf %neg3A_217, %div3A_215 : vector<100x1xf32>
    %exp3A_219 = math.exp %neg3A_218 : vector<100x1xf32>
    %add3A_220 = arith.constant 1.000000e+00 : f32
    %add3A_221 = vector.broadcast %add3A_220 : f32 to vector<100x1xf32>
    %add3A_222 = arith.addf %add3A_221, %exp3A_219 : vector<100x1xf32>
    %div3A_223 = arith.constant 1.000000e+00 : f32
    %div3A_224 = vector.broadcast %div3A_223 : f32 to vector<100x1xf32>
    %div3A_225 = arith.divf %div3A_224, %add3A_222 : vector<100x1xf32>
    %iota3A_226 = tpu.iota {dimensions = array<i32: 0>} : vector<100x100xi32>
    %iota3A_227 = tpu.iota {dimensions = array<i32: 1>} : vector<100x100xi32>
    %transpose3A_228 = tpu.transpose %div3A_225, [1, 0] : vector<100x1xf32> -> vector<1x100xf32>
    %gt3A_229 = vector.broadcast %transpose3A_228 : vector<1x100xf32> to vector<100x100xf32>
    %gt3A_230 = vector.broadcast %div3A_225 : vector<100x1xf32> to vector<100x100xf32>
    %gt3A_231 = arith.cmpf ogt, %gt3A_229, %gt3A_230 : vector<100x100xf32>
    %eq3A_232 = vector.broadcast %transpose3A_228 : vector<1x100xf32> to vector<100x100xf32>
    %eq3A_233 = vector.broadcast %div3A_225 : vector<100x1xf32> to vector<100x100xf32>
    %eq3A_234 = arith.cmpf oeq, %eq3A_232, %eq3A_233 : vector<100x100xf32>
    %lt3A_235 = arith.cmpi slt, %iota3A_227, %iota3A_226 : vector<100x100xi32>
    %and3A_236 = arith.andi %eq3A_234, %lt3A_235 : vector<100x100xi1>
    %or3A_237 = arith.ori %gt3A_231, %and3A_236 : vector<100x100xi1>
    %convert_element_type3A_238 = arith.extui %or3A_237 : vector<100x100xi1> to vector<100x100xi32>
    %convert_element_type3A_239 = arith.sitofp %convert_element_type3A_238 : vector<100x100xi32> to vector<100x100xf32>
    %reduce_sum3A_240 = arith.constant dense<0.000000e+00> : vector<100xf32>
    %reduce_sum3A_241 = vector.multi_reduction <add>, %convert_element_type3A_239, %reduce_sum3A_240 [1] : vector<100x100xf32> to vector<100xf32>
    %broadcast_in_dim3A_242 = vector.shape_cast %reduce_sum3A_241 : vector<100xf32> to vector<100x1xf32>
    %iota3A_243 = tpu.iota {dimensions = array<i32: 0>} : vector<50x1xi32>
    %convert_element_type3A_244 = arith.sitofp %iota3A_243 : vector<50x1xi32> to vector<50x1xf32>
    %transpose3A_245 = tpu.transpose %broadcast_in_dim3A_242, [1, 0] : vector<100x1xf32> -> vector<1x100xf32>
    %eq3A_246 = vector.broadcast %convert_element_type3A_244 : vector<50x1xf32> to vector<50x100xf32>
    %eq3A_247 = vector.broadcast %transpose3A_245 : vector<1x100xf32> to vector<50x100xf32>
    %eq3A_248 = arith.cmpf oeq, %eq3A_246, %eq3A_247 : vector<50x100xf32>
    %convert_element_type3A_249 = arith.extui %eq3A_248 : vector<50x100xi1> to vector<50x100xi32>
    %convert_element_type3A_250 = arith.sitofp %convert_element_type3A_249 : vector<50x100xi32> to vector<50x100xf32>
    %mul3A_251 = vector.broadcast %div3A_225 : vector<100x1xf32> to vector<100x64xf32>
    %mul3A_252 = arith.mulf %add3A_198, %mul3A_251 : vector<100x64xf32>
    %dot_general3A_253 = arith.constant dense<0.000000e+00> : vector<50x64xf32>
    %dot_general3A_254 = tpu.matmul %convert_element_type3A_250, %mul3A_252, %dot_general3A_253 {dimension_numbers = #tpu.dot_dimension_numbers<[1], [0], [0], [1], [0, 0, 1, 1], [], []>, precision = #tpu.contract_precision<fp32>, transpose_lhs_hint = false} : vector<50x100xf32>, vector<100x64xf32>, vector<50x64xf32> -> vector<50x64xf32>
    %reduce_max3A_255 = arith.constant dense<0xFF800000> : vector<64xf32>
    %reduce_max3A_256 = vector.multi_reduction <maximumf>, %dot_general3A_254, %reduce_max3A_255 [0] : vector<50x64xf32> to vector<64xf32>
    %broadcast_in_dim3A_257 = vector.shape_cast %reduce_max3A_256 : vector<64xf32> to vector<1x64xf32>
    %swap3A_258 = arith.constant 0 : index
    %swap3A_259 = arith.constant 0 : index
    %swap3A_260 = arith.constant 128 : index
    %swap3A_261 = vector.load %arg9[%swap3A_258, %swap3A_259, %swap3A_260] : memref<1x1x256xf32, #tpu.memory_space<vmem>>, vector<1x1x64xf32>
    %swap3A_262 = vector.shape_cast %swap3A_261 : vector<1x1x64xf32> to vector<1x64xf32>
    %swap3A_263 = vector.shape_cast %broadcast_in_dim3A_257 : vector<1x64xf32> to vector<1x1x64xf32>
    tpu.vector_store %arg9[%swap3A_258, %swap3A_259, %swap3A_260], %swap3A_263 {strides = array<i32>} : memref<1x1x256xf32, #tpu.memory_space<vmem>>, vector<1x1x64xf32>,
    %reduce_sum3A_264 = arith.constant dense<0.000000e+00> : vector<64xf32>
    %reduce_sum3A_265 = vector.multi_reduction <add>, %dot_general3A_254, %reduce_sum3A_264 [0] : vector<50x64xf32> to vector<64xf32>
    %broadcast_in_dim3A_266 = vector.shape_cast %reduce_sum3A_265 : vector<64xf32> to vector<1x64xf32>
    %div3A_267 = arith.constant 5.000000e+01 : f32
    %div3A_268 = vector.broadcast %div3A_267 : f32 to vector<1x64xf32>
    %div3A_269 = arith.divf %broadcast_in_dim3A_266, %div3A_268 : vector<1x64xf32>
    %swap3A_270 = arith.constant 0 : index
    %swap3A_271 = arith.constant 0 : index
    %swap3A_272 = arith.constant 192 : index
    %swap3A_273 = vector.load %arg9[%swap3A_270, %swap3A_271, %swap3A_272] : memref<1x1x256xf32, #tpu.memory_space<vmem>>, vector<1x1x64xf32>
    %swap3A_274 = vector.shape_cast %swap3A_273 : vector<1x1x64xf32> to vector<1x64xf32>
    %swap3A_275 = vector.shape_cast %div3A_269 : vector<1x64xf32> to vector<1x1x64xf32>
    tpu.vector_store %arg9[%swap3A_270, %swap3A_271, %swap3A_272], %swap3A_275 {strides = array<i32>} : memref<1x1x256xf32, #tpu.memory_space<vmem>>, vector<1x1x64xf32>,
    return
  }
  func.func @transform_0(%arg0: i32) -> (i32, i32, i32) {
    %c0_i32 = arith.constant 0 : i32
    %c0_i32_0 = arith.constant 0 : i32
    %c0_i32_1 = arith.constant 0 : i32
    return %arg0, %c0_i32, %c0_i32_0 : i32, i32, i32
  }
  func.func @transform_1(%arg0: i32) -> (i32, i32, i32) {
    %c0_i32 = arith.constant 0 : i32
    %c0_i32_0 = arith.constant 0 : i32
    %c0_i32_1 = arith.constant 0 : i32
    return %arg0, %c0_i32, %c0_i32_0 : i32, i32, i32
  }
  func.func @transform_2(%arg0: i32) -> (i32, i32) {
    %c0_i32 = arith.constant 0 : i32
    %c0_i32_0 = arith.constant 0 : i32
    %c0_i32_1 = arith.constant 0 : i32
    return %c0_i32, %c0_i32_0 : i32, i32
  }
  func.func @transform_3(%arg0: i32) -> (i32, i32) {
    %c0_i32 = arith.constant 0 : i32
    %c0_i32_0 = arith.constant 0 : i32
    %c0_i32_1 = arith.constant 0 : i32
    return %c0_i32, %c0_i32_0 : i32, i32
  }
  func.func @transform_4(%arg0: i32) -> (i32, i32) {
    %c0_i32 = arith.constant 0 : i32
    %c0_i32_0 = arith.constant 0 : i32
    %c0_i32_1 = arith.constant 0 : i32
    return %c0_i32, %c0_i32_0 : i32, i32
  }
  func.func @transform_5(%arg0: i32) -> (i32, i32) {
    %c0_i32 = arith.constant 0 : i32
    %c0_i32_0 = arith.constant 0 : i32
    %c0_i32_1 = arith.constant 0 : i32
    return %c0_i32, %c0_i32_0 : i32, i32
  }
  func.func @transform_6(%arg0: i32) -> (i32, i32) {
    %c0_i32 = arith.constant 0 : i32
    %c0_i32_0 = arith.constant 0 : i32
    %c0_i32_1 = arith.constant 0 : i32
    return %c0_i32, %c0_i32_0 : i32, i32
  }
  func.func @transform_7(%arg0: i32) -> (i32, i32) {
    %c0_i32 = arith.constant 0 : i32
    %c0_i32_0 = arith.constant 0 : i32
    %c0_i32_1 = arith.constant 0 : i32
    return %c0_i32, %c0_i32_0 : i32, i32
  }
  func.func @transform_8(%arg0: i32) -> (i32, i32, i32) {
    %c0_i32 = arith.constant 0 : i32
    %c0_i32_0 = arith.constant 0 : i32
    %c0_i32_1 = arith.constant 0 : i32
    return %arg0, %c0_i32, %c0_i32_0 : i32, i32, i32
  }
}

module attributes {stable_mosaic.version = 14 : i64} {
  func.func @_head_body(%arg0: memref<32x256xf32, #tpu.memory_space<vmem>>, %arg1: memref<256x256xf32, #tpu.memory_space<vmem>>, %arg2: memref<1x256xf32, #tpu.memory_space<vmem>>, %arg3: memref<1x256xf32, #tpu.memory_space<vmem>>, %arg4: memref<1x256xf32, #tpu.memory_space<vmem>>, %arg5: memref<256x64xf32, #tpu.memory_space<vmem>>, %arg6: memref<64x512xf32, #tpu.memory_space<vmem>>, %arg7: memref<1x512xf32, #tpu.memory_space<vmem>>, %arg8: memref<16x512xf32, #tpu.memory_space<vmem>>, %arg9: memref<16x512xf32, #tpu.memory_space<vmem>>, %arg10: memref<16x256xf32, #tpu.memory_space<vmem>>, %arg11: memref<16x256xf32, #tpu.memory_space<vmem>>) attributes {dimension_semantics = [], scalar_prefetch = 0 : i64, scratch_operands = 0 : i64, tpu.core_type = #tpu.core_type<tc>} {
    %get3A = arith.constant 0 : index
    %get3A_0 = arith.constant 0 : index
    %get3A_1 = vector.load %arg0[%get3A, %get3A_0] : memref<32x256xf32, #tpu.memory_space<vmem>>, vector<32x256xf32>
    %get3A_2 = arith.constant 0 : index
    %get3A_3 = arith.constant 0 : index
    %get3A_4 = vector.load %arg1[%get3A_2, %get3A_3] : memref<256x256xf32, #tpu.memory_space<vmem>>, vector<256x256xf32>
    %convert_element_type3A = arith.truncf %get3A_1 : vector<32x256xf32> to vector<32x256xbf16>
    %convert_element_type3A_5 = arith.truncf %get3A_4 : vector<256x256xf32> to vector<256x256xbf16>
    %dot_general3A = arith.constant dense<0.000000e+00> : vector<32x256xf32>
    %dot_general3A_6 = tpu.matmul %convert_element_type3A, %convert_element_type3A_5, %dot_general3A {dimension_numbers = #tpu.dot_dimension_numbers<[1], [0], [0], [1], [0, 0, 1, 1], [], []>, transpose_lhs_hint = false} : vector<32x256xbf16>, vector<256x256xbf16>, vector<32x256xf32> -> vector<32x256xf32>
    %get3A_7 = arith.constant 0 : index
    %get3A_8 = arith.constant 0 : index
    %get3A_9 = vector.load %arg2[%get3A_7, %get3A_8] : memref<1x256xf32, #tpu.memory_space<vmem>>, vector<1x256xf32>
    %add3A = vector.broadcast %get3A_9 : vector<1x256xf32> to vector<32x256xf32>
    %add3A_10 = arith.addf %dot_general3A_6, %add3A : vector<32x256xf32>
    %max3A = arith.constant 0.000000e+00 : f32
    %max3A_11 = vector.broadcast %max3A : f32 to vector<32x256xf32>
    %max3A_12 = arith.maximumf %add3A_10, %max3A_11 : vector<32x256xf32>
    %slice3A = vector.extract_strided_slice %max3A_12 {offsets = [0, 0], sizes = [16, 256], strides = [1, 1]} : vector<32x256xf32> to vector<16x256xf32>
    %reduce_sum3A = arith.constant dense<0.000000e+00> : vector<256xf32>
    %reduce_sum3A_13 = vector.multi_reduction <add>, %slice3A, %reduce_sum3A [0] : vector<16x256xf32> to vector<256xf32>
    %broadcast_in_dim3A = vector.shape_cast %reduce_sum3A_13 : vector<256xf32> to vector<1x256xf32>
    %div3A = arith.constant 1.600000e+01 : f32
    %div3A_14 = vector.broadcast %div3A : f32 to vector<1x256xf32>
    %div3A_15 = arith.divf %broadcast_in_dim3A, %div3A_14 : vector<1x256xf32>
    %sub3A = vector.broadcast %div3A_15 : vector<1x256xf32> to vector<16x256xf32>
    %sub3A_16 = arith.subf %slice3A, %sub3A : vector<16x256xf32>
    %mul3A = arith.mulf %sub3A_16, %sub3A_16 : vector<16x256xf32>
    %reduce_sum3A_17 = arith.constant dense<0.000000e+00> : vector<256xf32>
    %reduce_sum3A_18 = vector.multi_reduction <add>, %mul3A, %reduce_sum3A_17 [0] : vector<16x256xf32> to vector<256xf32>
    %broadcast_in_dim3A_19 = vector.shape_cast %reduce_sum3A_18 : vector<256xf32> to vector<1x256xf32>
    %div3A_20 = arith.constant 1.600000e+01 : f32
    %div3A_21 = vector.broadcast %div3A_20 : f32 to vector<1x256xf32>
    %div3A_22 = arith.divf %broadcast_in_dim3A_19, %div3A_21 : vector<1x256xf32>
    %add3A_23 = arith.constant 9.99999974E-6 : f32
    %add3A_24 = vector.broadcast %add3A_23 : f32 to vector<1x256xf32>
    %add3A_25 = arith.addf %div3A_22, %add3A_24 : vector<1x256xf32>
    %rsqrt3A = math.rsqrt %add3A_25 : vector<1x256xf32>
    %mul3A_26 = vector.broadcast %rsqrt3A : vector<1x256xf32> to vector<16x256xf32>
    %mul3A_27 = arith.mulf %sub3A_16, %mul3A_26 : vector<16x256xf32>
    %get3A_28 = arith.constant 0 : index
    %get3A_29 = arith.constant 0 : index
    %get3A_30 = vector.load %arg3[%get3A_28, %get3A_29] : memref<1x256xf32, #tpu.memory_space<vmem>>, vector<1x256xf32>
    %mul3A_31 = vector.broadcast %get3A_30 : vector<1x256xf32> to vector<16x256xf32>
    %mul3A_32 = arith.mulf %mul3A_27, %mul3A_31 : vector<16x256xf32>
    %get3A_33 = arith.constant 0 : index
    %get3A_34 = arith.constant 0 : index
    %get3A_35 = vector.load %arg4[%get3A_33, %get3A_34] : memref<1x256xf32, #tpu.memory_space<vmem>>, vector<1x256xf32>
    %add3A_36 = vector.broadcast %get3A_35 : vector<1x256xf32> to vector<16x256xf32>
    %add3A_37 = arith.addf %mul3A_32, %add3A_36 : vector<16x256xf32>
    %get3A_38 = arith.constant 0 : index
    %get3A_39 = arith.constant 0 : index
    %get3A_40 = vector.load %arg5[%get3A_38, %get3A_39] : memref<256x64xf32, #tpu.memory_space<vmem>>, vector<256x64xf32>
    %convert_element_type3A_41 = arith.truncf %add3A_37 : vector<16x256xf32> to vector<16x256xbf16>
    %convert_element_type3A_42 = arith.truncf %get3A_40 : vector<256x64xf32> to vector<256x64xbf16>
    %dot_general3A_43 = arith.constant dense<0.000000e+00> : vector<16x64xf32>
    %dot_general3A_44 = tpu.matmul %convert_element_type3A_41, %convert_element_type3A_42, %dot_general3A_43 {dimension_numbers = #tpu.dot_dimension_numbers<[1], [0], [0], [1], [0, 0, 1, 1], [], []>, transpose_lhs_hint = false} : vector<16x256xbf16>, vector<256x64xbf16>, vector<16x64xf32> -> vector<16x64xf32>
    %max3A_45 = arith.constant 0.000000e+00 : f32
    %max3A_46 = vector.broadcast %max3A_45 : f32 to vector<16x64xf32>
    %max3A_47 = arith.maximumf %dot_general3A_44, %max3A_46 : vector<16x64xf32>
    %get3A_48 = arith.constant 0 : index
    %get3A_49 = arith.constant 0 : index
    %get3A_50 = vector.load %arg6[%get3A_48, %get3A_49] : memref<64x512xf32, #tpu.memory_space<vmem>>, vector<64x512xf32>
    %convert_element_type3A_51 = arith.truncf %max3A_47 : vector<16x64xf32> to vector<16x64xbf16>
    %convert_element_type3A_52 = arith.truncf %get3A_50 : vector<64x512xf32> to vector<64x512xbf16>
    %dot_general3A_53 = arith.constant dense<0.000000e+00> : vector<16x512xf32>
    %dot_general3A_54 = tpu.matmul %convert_element_type3A_51, %convert_element_type3A_52, %dot_general3A_53 {dimension_numbers = #tpu.dot_dimension_numbers<[1], [0], [0], [1], [0, 0, 1, 1], [], []>, transpose_lhs_hint = false} : vector<16x64xbf16>, vector<64x512xbf16>, vector<16x512xf32> -> vector<16x512xf32>
    %get3A_55 = arith.constant 0 : index
    %get3A_56 = arith.constant 0 : index
    %get3A_57 = vector.load %arg7[%get3A_55, %get3A_56] : memref<1x512xf32, #tpu.memory_space<vmem>>, vector<1x512xf32>
    %add3A_58 = vector.broadcast %get3A_57 : vector<1x512xf32> to vector<16x512xf32>
    %add3A_59 = arith.addf %dot_general3A_54, %add3A_58 : vector<16x512xf32>
    %mul3A_60 = arith.mulf %add3A_37, %add3A_37 : vector<16x256xf32>
    %reduce_sum3A_61 = arith.constant dense<0.000000e+00> : vector<16xf32>
    %reduce_sum3A_62 = vector.multi_reduction <add>, %mul3A_60, %reduce_sum3A_61 [1] : vector<16x256xf32> to vector<16xf32>
    %broadcast_in_dim3A_63 = vector.shape_cast %reduce_sum3A_62 : vector<16xf32> to vector<16x1xf32>
    %sqrt3A = math.sqrt %broadcast_in_dim3A_63 : vector<16x1xf32>
    %max3A_64 = arith.constant 9.99999996E-13 : f32
    %max3A_65 = vector.broadcast %max3A_64 : f32 to vector<16x1xf32>
    %max3A_66 = arith.maximumf %sqrt3A, %max3A_65 : vector<16x1xf32>
    %mul3A_67 = arith.mulf %add3A_59, %add3A_59 : vector<16x512xf32>
    %reduce_sum3A_68 = arith.constant dense<0.000000e+00> : vector<16xf32>
    %reduce_sum3A_69 = vector.multi_reduction <add>, %mul3A_67, %reduce_sum3A_68 [1] : vector<16x512xf32> to vector<16xf32>
    %broadcast_in_dim3A_70 = vector.shape_cast %reduce_sum3A_69 : vector<16xf32> to vector<16x1xf32>
    %sqrt3A_71 = math.sqrt %broadcast_in_dim3A_70 : vector<16x1xf32>
    %max3A_72 = arith.constant 9.99999996E-13 : f32
    %max3A_73 = vector.broadcast %max3A_72 : f32 to vector<16x1xf32>
    %max3A_74 = arith.maximumf %sqrt3A_71, %max3A_73 : vector<16x1xf32>
    %div3A_75 = vector.broadcast %max3A_66 : vector<16x1xf32> to vector<16x256xf32>
    %div3A_76 = arith.divf %add3A_37, %div3A_75 : vector<16x256xf32>
    %swap3A = arith.constant 0 : index
    %swap3A_77 = arith.constant 0 : index
    %swap3A_78 = vector.load %arg10[%swap3A, %swap3A_77] : memref<16x256xf32, #tpu.memory_space<vmem>>, vector<16x256xf32>
    tpu.vector_store %arg10[%swap3A, %swap3A_77], %div3A_76 {strides = array<i32>} : memref<16x256xf32, #tpu.memory_space<vmem>>, vector<16x256xf32>,
    %div3A_79 = vector.broadcast %max3A_74 : vector<16x1xf32> to vector<16x512xf32>
    %div3A_80 = arith.divf %add3A_59, %div3A_79 : vector<16x512xf32>
    %swap3A_81 = arith.constant 0 : index
    %swap3A_82 = arith.constant 0 : index
    %swap3A_83 = vector.load %arg8[%swap3A_81, %swap3A_82] : memref<16x512xf32, #tpu.memory_space<vmem>>, vector<16x512xf32>
    tpu.vector_store %arg8[%swap3A_81, %swap3A_82], %div3A_80 {strides = array<i32>} : memref<16x512xf32, #tpu.memory_space<vmem>>, vector<16x512xf32>,
    %slice3A_84 = vector.extract_strided_slice %max3A_12 {offsets = [16, 0], sizes = [16, 256], strides = [1, 1]} : vector<32x256xf32> to vector<16x256xf32>
    %reduce_sum3A_85 = arith.constant dense<0.000000e+00> : vector<256xf32>
    %reduce_sum3A_86 = vector.multi_reduction <add>, %slice3A_84, %reduce_sum3A_85 [0] : vector<16x256xf32> to vector<256xf32>
    %broadcast_in_dim3A_87 = vector.shape_cast %reduce_sum3A_86 : vector<256xf32> to vector<1x256xf32>
    %div3A_88 = arith.constant 1.600000e+01 : f32
    %div3A_89 = vector.broadcast %div3A_88 : f32 to vector<1x256xf32>
    %div3A_90 = arith.divf %broadcast_in_dim3A_87, %div3A_89 : vector<1x256xf32>
    %sub3A_91 = vector.broadcast %div3A_90 : vector<1x256xf32> to vector<16x256xf32>
    %sub3A_92 = arith.subf %slice3A_84, %sub3A_91 : vector<16x256xf32>
    %mul3A_93 = arith.mulf %sub3A_92, %sub3A_92 : vector<16x256xf32>
    %reduce_sum3A_94 = arith.constant dense<0.000000e+00> : vector<256xf32>
    %reduce_sum3A_95 = vector.multi_reduction <add>, %mul3A_93, %reduce_sum3A_94 [0] : vector<16x256xf32> to vector<256xf32>
    %broadcast_in_dim3A_96 = vector.shape_cast %reduce_sum3A_95 : vector<256xf32> to vector<1x256xf32>
    %div3A_97 = arith.constant 1.600000e+01 : f32
    %div3A_98 = vector.broadcast %div3A_97 : f32 to vector<1x256xf32>
    %div3A_99 = arith.divf %broadcast_in_dim3A_96, %div3A_98 : vector<1x256xf32>
    %add3A_100 = arith.constant 9.99999974E-6 : f32
    %add3A_101 = vector.broadcast %add3A_100 : f32 to vector<1x256xf32>
    %add3A_102 = arith.addf %div3A_99, %add3A_101 : vector<1x256xf32>
    %rsqrt3A_103 = math.rsqrt %add3A_102 : vector<1x256xf32>
    %mul3A_104 = vector.broadcast %rsqrt3A_103 : vector<1x256xf32> to vector<16x256xf32>
    %mul3A_105 = arith.mulf %sub3A_92, %mul3A_104 : vector<16x256xf32>
    %get3A_106 = arith.constant 0 : index
    %get3A_107 = arith.constant 0 : index
    %get3A_108 = vector.load %arg3[%get3A_106, %get3A_107] : memref<1x256xf32, #tpu.memory_space<vmem>>, vector<1x256xf32>
    %mul3A_109 = vector.broadcast %get3A_108 : vector<1x256xf32> to vector<16x256xf32>
    %mul3A_110 = arith.mulf %mul3A_105, %mul3A_109 : vector<16x256xf32>
    %get3A_111 = arith.constant 0 : index
    %get3A_112 = arith.constant 0 : index
    %get3A_113 = vector.load %arg4[%get3A_111, %get3A_112] : memref<1x256xf32, #tpu.memory_space<vmem>>, vector<1x256xf32>
    %add3A_114 = vector.broadcast %get3A_113 : vector<1x256xf32> to vector<16x256xf32>
    %add3A_115 = arith.addf %mul3A_110, %add3A_114 : vector<16x256xf32>
    %get3A_116 = arith.constant 0 : index
    %get3A_117 = arith.constant 0 : index
    %get3A_118 = vector.load %arg5[%get3A_116, %get3A_117] : memref<256x64xf32, #tpu.memory_space<vmem>>, vector<256x64xf32>
    %convert_element_type3A_119 = arith.truncf %add3A_115 : vector<16x256xf32> to vector<16x256xbf16>
    %convert_element_type3A_120 = arith.truncf %get3A_118 : vector<256x64xf32> to vector<256x64xbf16>
    %dot_general3A_121 = arith.constant dense<0.000000e+00> : vector<16x64xf32>
    %dot_general3A_122 = tpu.matmul %convert_element_type3A_119, %convert_element_type3A_120, %dot_general3A_121 {dimension_numbers = #tpu.dot_dimension_numbers<[1], [0], [0], [1], [0, 0, 1, 1], [], []>, transpose_lhs_hint = false} : vector<16x256xbf16>, vector<256x64xbf16>, vector<16x64xf32> -> vector<16x64xf32>
    %max3A_123 = arith.constant 0.000000e+00 : f32
    %max3A_124 = vector.broadcast %max3A_123 : f32 to vector<16x64xf32>
    %max3A_125 = arith.maximumf %dot_general3A_122, %max3A_124 : vector<16x64xf32>
    %get3A_126 = arith.constant 0 : index
    %get3A_127 = arith.constant 0 : index
    %get3A_128 = vector.load %arg6[%get3A_126, %get3A_127] : memref<64x512xf32, #tpu.memory_space<vmem>>, vector<64x512xf32>
    %convert_element_type3A_129 = arith.truncf %max3A_125 : vector<16x64xf32> to vector<16x64xbf16>
    %convert_element_type3A_130 = arith.truncf %get3A_128 : vector<64x512xf32> to vector<64x512xbf16>
    %dot_general3A_131 = arith.constant dense<0.000000e+00> : vector<16x512xf32>
    %dot_general3A_132 = tpu.matmul %convert_element_type3A_129, %convert_element_type3A_130, %dot_general3A_131 {dimension_numbers = #tpu.dot_dimension_numbers<[1], [0], [0], [1], [0, 0, 1, 1], [], []>, transpose_lhs_hint = false} : vector<16x64xbf16>, vector<64x512xbf16>, vector<16x512xf32> -> vector<16x512xf32>
    %get3A_133 = arith.constant 0 : index
    %get3A_134 = arith.constant 0 : index
    %get3A_135 = vector.load %arg7[%get3A_133, %get3A_134] : memref<1x512xf32, #tpu.memory_space<vmem>>, vector<1x512xf32>
    %add3A_136 = vector.broadcast %get3A_135 : vector<1x512xf32> to vector<16x512xf32>
    %add3A_137 = arith.addf %dot_general3A_132, %add3A_136 : vector<16x512xf32>
    %mul3A_138 = arith.mulf %add3A_115, %add3A_115 : vector<16x256xf32>
    %reduce_sum3A_139 = arith.constant dense<0.000000e+00> : vector<16xf32>
    %reduce_sum3A_140 = vector.multi_reduction <add>, %mul3A_138, %reduce_sum3A_139 [1] : vector<16x256xf32> to vector<16xf32>
    %broadcast_in_dim3A_141 = vector.shape_cast %reduce_sum3A_140 : vector<16xf32> to vector<16x1xf32>
    %sqrt3A_142 = math.sqrt %broadcast_in_dim3A_141 : vector<16x1xf32>
    %max3A_143 = arith.constant 9.99999996E-13 : f32
    %max3A_144 = vector.broadcast %max3A_143 : f32 to vector<16x1xf32>
    %max3A_145 = arith.maximumf %sqrt3A_142, %max3A_144 : vector<16x1xf32>
    %mul3A_146 = arith.mulf %add3A_137, %add3A_137 : vector<16x512xf32>
    %reduce_sum3A_147 = arith.constant dense<0.000000e+00> : vector<16xf32>
    %reduce_sum3A_148 = vector.multi_reduction <add>, %mul3A_146, %reduce_sum3A_147 [1] : vector<16x512xf32> to vector<16xf32>
    %broadcast_in_dim3A_149 = vector.shape_cast %reduce_sum3A_148 : vector<16xf32> to vector<16x1xf32>
    %sqrt3A_150 = math.sqrt %broadcast_in_dim3A_149 : vector<16x1xf32>
    %max3A_151 = arith.constant 9.99999996E-13 : f32
    %max3A_152 = vector.broadcast %max3A_151 : f32 to vector<16x1xf32>
    %max3A_153 = arith.maximumf %sqrt3A_150, %max3A_152 : vector<16x1xf32>
    %div3A_154 = vector.broadcast %max3A_145 : vector<16x1xf32> to vector<16x256xf32>
    %div3A_155 = arith.divf %add3A_115, %div3A_154 : vector<16x256xf32>
    %swap3A_156 = arith.constant 0 : index
    %swap3A_157 = arith.constant 0 : index
    %swap3A_158 = vector.load %arg11[%swap3A_156, %swap3A_157] : memref<16x256xf32, #tpu.memory_space<vmem>>, vector<16x256xf32>
    tpu.vector_store %arg11[%swap3A_156, %swap3A_157], %div3A_155 {strides = array<i32>} : memref<16x256xf32, #tpu.memory_space<vmem>>, vector<16x256xf32>,
    %div3A_159 = vector.broadcast %max3A_153 : vector<16x1xf32> to vector<16x512xf32>
    %div3A_160 = arith.divf %add3A_137, %div3A_159 : vector<16x512xf32>
    %swap3A_161 = arith.constant 0 : index
    %swap3A_162 = arith.constant 0 : index
    %swap3A_163 = vector.load %arg9[%swap3A_161, %swap3A_162] : memref<16x512xf32, #tpu.memory_space<vmem>>, vector<16x512xf32>
    tpu.vector_store %arg9[%swap3A_161, %swap3A_162], %div3A_160 {strides = array<i32>} : memref<16x512xf32, #tpu.memory_space<vmem>>, vector<16x512xf32>,
    return
  }
}

</mosaic_0001>

<sc_bundles>
// kernel: kernel.5.cloned.1.call-start
scs
__scs_entry_jumppad:
0x0: {  	(pc) =	sbr.rel $0x88, $3  }
0x1: {  	(tag) =	ssettag $0x0;
	lr =	simm.s32 $0x1  }
0x2: {  	[smem:$0x3F8E] =	sst lr;
	_ =	strace $0xD0000000  }
0x3: {  	_ = 	snop  }
0x4: {  	_ = 	snop  }
0x5: {  	_ = 	snop  }
0x6: {  	_ = 	snop  }
0x7: {  	_ = 	snop  }
__scs_overlays_trampoline_lowered:
0x8: {  	[smem:$0x3F9D] =	sst s0  }
0x9: {  	[smem:$0x3F9E] =	sst s1  }
0xa: {  	[smem:$0x3F9F] =	sst s2  }
0xb: {  	[smem:$0x3FA0] =	sst s3  }
0xc: {  	[smem:$0x3FA1] =	sst s4  }
0xd: {  	[smem:$0x3FA2] =	sst s5  }
0xe: {  	[smem:$0x3FA3] =	sst s6  }
0xf: {  	[smem:$0x3FA4] =	sst s7  }
0x10: {  	[smem:$0x3FA5] =	sst s8  }
0x11: {  	[smem:$0x3FA6] =	sst s9;
	s0 =	simm.s32 @!p0 $0x0  }
0x12: {  	s1 =	sld [smem:$0x3F8C];
	s0 =	simm.s32 @p0 $0x1  }
0x13: {  	[smem:$0x3FA7] =	sst s0;
	s0 =	simm.s32 @!p1 $0x0  }
0x14: {  	s2 =	sld [smem:$0x3F8B];
	s0 =	simm.s32 @p1 $0x1  }
0x15: {  	[smem:$0x3FA8] =	sst s0;
	s0 =	simm.s32 @!p2 $0x0  }
0x16: {  	s3 =	sld [smem:$0x3FDB];
	s0 =	simm.s32 @p2 $0x1  }
0x17: {  	s4 =	simm.s32 $0x1BF5;
	[smem:$0x3FAA] =	sst s0  }
0x18: {  	s0 =	sld [smem:$0x3F8D];
	_ =	swait.ge [sflag:s4], $0x0  }
0x19: {  	s7 =	sld [smem:$0x3F8E]  }
0x1a: {  	s8 =	sadd.s32 $0xFFFFE003, lr  }
0x1b: {  	s9 =	sadd.s32 $0xFFFFFEF7, lr;
	s5 =	simm.s32 $0xFFFFFFFF;
	p2 =	slt.u32 s8, $0xFFFFF086  }
0x1c: {  	p1 =	slt.u32 s9, $0xF7A;
	s5 =	simm.s32 @!p2 $0x0  }
0x1d: {  	s5 =	simm.s32 @p1 $0x1;
	p0 =	seq.s32 s7, s2  }
0x1e: {  	s7 =	smul.u32 @!p0 $0xF7A, s2;
	p2 =	seq.s32 @!p0 s5, $0x0  }
0x1f: {  	s9 =	smul.u32 $0xF7A, s1;
	s8 =	simm.s32 @!p0 $0x1BF5;
	p2 =	por !p2, p0  }
0x20: {  	[sflag:s8] =	ssyncset.s32 @!p0 $0xFFFFF086;
	s6 =	sadd.s32 @!p0 s3, s7;
	s7 =	simm.s32 @!p0 $0x108  }
0x21: {  	s3 =	sadd.s32 s3, s9;
	s6 =	sadd.s32 @!p0 $0x88, s6;
	s7 =	simm.s32 @p2 $0x1082  }
0x22: {  	[simem:s7], [sflag:s8] =	dma.local @!p0 [hbm:s6], $0xF7A  }
0x23: {  	s9 =	sor.u32 $0xD0000000, s2;
	s6 =	simm.s32 $0x108;
	_ =	swait.ge @!p0 [sflag:s8], $0x0  }
0x24: {  	s3 =	sadd.s32 $0x88, s3;
	s6 =	simm.s32 @!p1 $0x1082;
	[sflag:s4] =	ssyncset.s32 $0xFFFFF086  }
0x25: {  	[simem:s6], [sflag:s4] =	dma.local [hbm:s3], $0xF7A  }
0x26: {  	[smem:$0x3F8E] =	sst s1;
	(tag) =	ssettag s2;
	_ =	strace s9  }
0x27: {  	s1 =	sld [smem:$0x3F9E]  }
0x28: {  	s2 =	sld [smem:$0x3F9F]  }
0x29: {  	s4 =	sld [smem:$0x3FA1]  }
0x2a: {  	p0 =	seq.s32 s5, $0x0;
	s5 =	sld [smem:$0x3FA2]  }
0x2b: {  	s6 =	sld [smem:$0x3FA3]  }
0x2c: {  	s7 =	sld [smem:$0x3FA4]  }
0x2d: {  	s3 =	simm.s32 $0x108;
	s8 =	sld [smem:$0x3FA5]  }
0x2e: {  	s3 =	simm.s32 @!p0 $0x1082;
	s9 =	sld [smem:$0x3FA6]  }
0x2f: {  	lr =	sadd.s32 s0, s3;
	s0 =	sld [smem:$0x3F9D]  }
0x30: {  	s3 =	sld [smem:$0x3FA0]  }
0x31: {  	[smem:$0x3FA9] =	sst s10  }
0x32: {  	s10 =	sld [smem:$0x3FA7];
	_ =	sdelay $0x3  }
0x33: {  	p0 =	seq.s32 s10, $0x1;
	s10 =	sld [smem:$0x3FA9];
	_ =	sdelay $0x3  }
0x34: {  	[smem:$0x3FA9] =	sst s10  }
0x35: {  	s10 =	sld [smem:$0x3FA8];
	_ =	sdelay $0x3  }
0x36: {  	p1 =	seq.s32 s10, $0x1;
	s10 =	sld [smem:$0x3FA9];
	_ =	sdelay $0x3  }
0x37: {  	[smem:$0x3FA9] =	sst s10  }
0x38: {  	s10 =	sld [smem:$0x3FAA]  }
0x39: {  	_ = 	snop;
	(pc) =	sbr.ind lr, $3  }
0x3a: {  	_ = 	snop  }
0x3b: {  	_ = 	snop  }
0x3c: {  	p2 =	seq.s32 s10, $0x1;
	s10 =	sld [smem:$0x3FA9]  }
0x3d: {  	_ =	shalt  }
0x3e: {  	_ =	shalt  }
0x3f: {  	_ =	shalt  }
0x40: {  	_ =	shalt  }
0x41: {  	_ =	shalt  }
0x42: {  	_ =	shalt  }
0x43: {  	_ =	shalt  }
0x44: {  	_ =	shalt  }
0x45: {  	_ =	shalt  }
0x46: {  	_ =	shalt  }
0x47: {  	_ =	shalt  }
0x48: {  	_ =	shalt  }
0x49: {  	_ =	shalt  }
0x4a: {  	_ =	shalt  }
0x4b: {  	_ =	shalt  }
0x4c: {  	_ =	shalt  }
0x4d: {  	_ =	shalt  }
0x4e: {  	_ =	shalt  }
0x4f: {  	_ =	shalt  }
0x50: {  	_ =	shalt  }
0x51: {  	_ =	shalt  }
0x52: {  	_ =	shalt  }
0x53: {  	_ =	shalt  }
0x54: {  	_ =	shalt  }
0x55: {  	_ =	shalt  }
0x56: {  	_ =	shalt  }
0x57: {  	_ =	shalt  }
0x58: {  	_ =	shalt  }
0x59: {  	_ =	shalt  }
0x5a: {  	_ =	shalt  }
0x5b: {  	_ =	shalt  }
0x5c: {  	_ =	shalt  }
0x5d: {  	_ =	shalt  }
0x5e: {  	_ =	shalt  }
0x5f: {  	_ =	shalt  }
0x60: {  	_ =	shalt  }
0x61: {  	_ =	shalt  }
0x62: {  	_ =	shalt  }
0x63: {  	_ =	shalt  }
0x64: {  	_ =	shalt  }
0x65: {  	_ =	shalt  }
0x66: {  	_ =	shalt  }
0x67: {  	_ =	shalt  }
0x68: {  	_ =	shalt  }
0x69: {  	_ =	shalt  }
0x6a: {  	_ =	shalt  }
0x6b: {  	_ =	shalt  }
0x6c: {  	_ =	shalt  }
0x6d: {  	_ =	shalt  }
0x6e: {  	_ =	shalt  }
0x6f: {  	_ =	shalt  }
0x70: {  	_ =	shalt  }
0x71: {  	_ =	shalt  }
0x72: {  	_ =	shalt  }
0x73: {  	_ =	shalt  }
0x74: {  	_ =	shalt  }
0x75: {  	_ =	shalt  }
0x76: {  	_ =	shalt  }
0x77: {  	_ =	shalt  }
0x78: {  	_ =	shalt  }
0x79: {  	_ =	shalt  }
0x7a: {  	_ =	shalt  }
0x7b: {  	_ =	shalt  }
0x7c: {  	_ =	shalt  }
0x7d: {  	_ =	shalt  }
0x7e: {  	_ =	shalt  }
0x7f: {  	_ =	shalt  }
0x80: {  	_ =	shalt  }
0x81: {  	_ =	shalt  }
0x82: {  	_ =	shalt  }
0x83: {  	_ =	shalt  }
0x84: {  	_ =	shalt  }
0x85: {  	_ =	shalt  }
0x86: {  	_ =	shalt  }
0x87: {  	_ =	shalt  }
.Lfunc_end0:
.L_simem_size_0:
called_computation_lowered:
.L_overlay_start_0:
0x88: {  	s2 =	sld [smem:$0x3FD9]  }
0x89: {  	s3 =	sld [smem:$0x3FFE];
	_ =	sdelay $0x1  }
0x8a: {  	s1 =	srdreg.scid  }
0x8b: {  	s0 =	sand.u32 $0x1, s1  }
0x8c: {  	s16 =	sshll.u32 s0, $0xA;
	s2 =	sadd.s32 s3, s2  }
0x8d: {  	s2 =	sadd.s32 s2, s16  }
0x8e: {  	[smem:$0x3FB5] =	sst s2  }
0x8f: {  	_ = 	snop  }
0x90: {  	(tm) =	ssettm $0x1  }
0x91: {  	s17 =	sld [smem:$0x3FFB];
	_ =	sdelay $0x3  }
0x92: {  	_ =	strace s17  }
0x93: {  	s2 =	sld [smem:$0x3FFC];
	_ =	sdelay $0x3  }
0x94: {  	_ =	strace s2  }
0x95: {  	s2 =	sld [smem:$0x3FFD];
	_ =	sdelay $0x3  }
0x96: {  	_ =	strace s2  }
0x97: {  	_ =	strace $0x8FFFFFFF  }
0x98: {  	s18 =	sld [smem:$0x3FDB];
	_ =	sdelay $0x1  }
0x99: {  	s19 =	simm.s32 $_scs_section_size  }
0x9a: {  	s4 =	simm.s32 $_size__tile_overlayer_lowered;
	s5 =	simm.s32 $_tile_overlayer_lowered  }
0x9b: {  	s22 =	simm.s32 $0x1BFF;
	s21 =	sshll.u32 s5, $0x1;
	s2 =	sadd.s32 s19, s18  }
0x9c: {  	s6 =	simm.s32 $0x0;
	s20 =	sshll.u32 s4, $0x1;
	s4 =	sadd.s32 s21, s2  }
0x9d: {  	[timem:s6], [sflag:s22] =	dma.local [hbm:s4], s20  }
0x9e: {  	_ =	swait.ge [sflag:s22], s20  }
0x9f: {  	s3 =	ssub.s32 $0x0, s20;
	[sflag:s22] =	ssyncset.done $0x0  }
0xa0: {  	[sflag:s22] =	ssyncadd.s32 s3;
	_ =	sdelay $0x1  }
0xa1: {  	s23 =	simm.s32 $0x1B8B  }
0xa2: {  	_ =	swait.ge [sflag:s23], $0x1  }
0xa3: {  	[sflag:s23] =	ssyncset.done $0x0  }
0xa4: {  	s25 =	simm.s32 $0x1B8E;
	s24 =	sld [smem:$0x3FFE];
	[sflag:s23] =	ssyncadd.s32 $0xFFFFFFFF  }
0xa5: {  	s26 =	simm.s32 $execute0_lowered;
	[smem:$0x3FD2] =	sst s25  }
0xa6: {  	s4 =	sshll.u32 s26, $0x1;
	_ =	strace $0x80000046;
	[dreg:$0x1] =	wrdreg $0xFFFFFFFF  }
0xa7: {  	s28 =	simm.s32 $_size_execute0_lowered;
	s2 =	sadd.s32 s2, s4;
	[dreg:$0x0] =	wrdreg $0x0  }
0xa8: {  	s4 =	sshll.u32 s28, $0x1;
	[dreg:$0x2] =	wrdreg s2  }
0xa9: {  	[dreg:$0x3] =	wrdreg s4  }
0xaa: {  	[dreg:$0x4] =	wrdreg $0xC0  }
0xab: {  	_ =	task [dreg:s6], $0x5FFFF  }
0xac: {  	[dreg:$0x1] =	wrdreg $0xFFFFFFFF  }
0xad: {  	[dreg:$0x0] =	wrdreg $0x60  }
0xae: {  	[dreg:$0x2] =	wrdreg s24  }
0xaf: {  	[dreg:$0x3] =	wrdreg $0xDB800  }
0xb0: {  	[dreg:$0x4] =	wrdreg $0x9  }
0xb1: {  	_ =	task.clear_ibuf [dreg:s6], $0x5FFFF;
	_ =	strace $0x90000046  }
0xb2: {  	s29 =	simm.s32 $0x9;
	_ =	strace $0x80000048  }
0xb3: {  	_ =	swait.ge [sflag:s29], $0x1  }
0xb4: {  	[sflag:s29] =	ssyncadd.s32 $0xFFFFFFFF  }
0xb5: {  	_ =	strace $0x90000048  }
0xb6: {  	_ =	sfence  }
0xb7: {  	s30 =	sld [smem:$0x0];
	_ =	sdelay $0x2  }
0xb8: {  	s31 =	sshll.u32 s1, $0xD;
	s1 =	sshrl.u32 s1, $0x2  }
0xb9: {  	s3 =	sand.u32 $0x4000, s31;
	s1 =	sadd.s32 s1, s30  }
0xba: {  	s0 =	sor.u32 s3, s0;
	s1 =	sshll.u32 s1, $0x11  }
0xbb: {  	s0 =	sor.u32 s1, s0  }
0xbc: {  	s0 =	sadd.s32 $0x8F2B, s0  }
0xbd: {  	[sflag:s0] =	ssyncadd.remote.s32 $0x1  }
0xbe: {  	_ =	sfence.sel $0xFFFF  }
0xbf: {  	[dreg:$0x0] =	wrdreg $0xFFFFFFFF;
	(pc) =	sbr.abs _section_cstart, $3  }
0xc0: {  	[dreg:$0x1] =	wrdreg $0xFFFFFFFF  }
0xc1: {  	_ =	task.clear_ibuf [dreg:s6], $0x2FFFF;
	_ =	strace $0x9FFFFFFF  }
0xc2: {  	(tm) =	ssettm $0x7FFFFFFF  }
0xc3: {  	_ =	shalt  }
tec
execute0_lowered:
.L_overlay_start_1:
0x0: {  	(tag) =	ssettag $0x1  }
0x1: {  	s0 =	srdreg.scid  }
0x2: {  	s14 =	sand.u32 $0x1, s0  }
0x3: {  	s0 =	stileid.u32;
	s1 =	sshll.u32 s14, $0x4  }
0x4: {  	s1 =	sor.u32 s0, s1  }
0x5: {  	s15 =	sshrl.u32 s1, $0x3  }
0x6: {  	s28 =	sshll.u32 s0, $0x7;
	s3 =	smul.u32 $0xFC00, s15  }
0x7: {  	s16 =	rddreg [dreg:$0x0];
	s17 =	sand.u32 $0x380, s28  }
0x8: {  	s2 =	rddreg [dreg:$0x1];
	s5 =	simm.s32 $0x80;
	s4 =	sor.u32 s17, s3  }
0x9: {  	s7 =	simm.s32 $0x400;
	s3 =	simm.s32 $0x0;
	s4 =	sshrl.u32 s4, $0x3  }
0xa: {  	s6 =	simm.s32 $0x2;
	[smem:$0x7FF] =	sst s3;
	s8 =	sadd.s32 s4, s16  }
0xb: {  	s1 =	rddreg [dreg:$0x2];
	_ =	strace $0x80000047;
	s4 =	sadd.s32 $0x9C00, s8  }
0xc: {  	[tilespmem:s3], [sflag:$0x2] =	stream.strided.gather [hbm4b:s4+s5], $0x1F80, s7, s5, $0x38;
	[tilespmem:$0x177C8] =	vst v63  }
0xd: {  	_ =	swait.ge [sflag:s6], $0x1F80  }
0xe: {  	[sflag:s6] =	ssyncset.done $0x0  }
0xf: {  	s9 =	simm.s32 $0x1F80;
	s8 =	sadd.s32 $0x1E00, s8;
	[sflag:s6] =	ssyncadd.s32 $0xFFFFE080  }
0x10: {  	[tilespmem:s9], [sflag:$0x2] =	stream.strided.gather [hbm4b:s8+s5], $0x1F80, s7, s5, $0x38;
	[tilespmem:$0x177C8] =	vst v63  }
0x11: {  	_ =	swait.ge [sflag:s6], $0x1F80  }
0x12: {  	s11 =	simm.s32 $0x3F00;
	[sflag:s6] =	ssyncset.done $0x0  }
0x13: {  	s10 =	sadd.s32 $0x11A00, s16;
	s12 =	smul.u32 $0x27120, s0;
	[sflag:s6] =	ssyncadd.s32 $0xFFFFE080  }
0x14: {  	[tilespmem:s11], [sflag:$0x2] =	stream.linear.gather [hbm4b:s10+s3], $0x9C80, $0x38;
	[tilespmem:$0x177C8] =	vst v63  }
0x15: {  	_ =	swait.ge [sflag:s6], $0x9C80  }
0x16: {  	s12 =	sshrl.u32 s12, $0x2;
	[sflag:s6] =	ssyncset.done $0x0  }
0x17: {  	s12 =	sadd.s32 s12, s2;
	[sflag:s6] =	ssyncadd.s32 $0xFFFF6380  }
0x18: {  	[spmem:s12] =	stream.linear.scatter [tilespmem:s11], [sflag:$0x2], $0x9C40, $0x38;
	[tilespmem:$0x177C8] =	vst v63  }
0x19: {  	_ =	swait.ge [sflag:s6], $0x9C40  }
0x1a: {  	[sflag:s6] =	ssyncset.done $0x0  }
0x1b: {  	s13 =	simm.s32 $0x1;
	s14 =	ssub.s32 $0x2, s14;
	[sflag:s6] =	ssyncadd.s32 $0xFFFF63C0  }
0x1c: {  	[spmem:s2] =	stream.indirect.scatter.add.f32 [tilespmem:s9], [sflag:$0x1], $0x1, s3, s9, $0xb8;
	[tilespmem:$0x177C8] =	vst v63  }
0x1d: {  	s29 =	sshrl.u32 s14, $0x1;
	s15 =	smul.u32 $0x4E400, s15;
	_ =	swait.ge [sflag:s13], $0x1F80  }
0x1e: {  	s30 =	ssub.s32 s14, s29;
	[sflag:s13] =	ssyncset.done $0x0  }
0x1f: {  	s31 =	smax.u32 s30, $0x1;
	s15 =	sor.u32 s17, s15;
	[sflag:s13] =	ssyncadd.s32 $0xFFFFE080  }
0x20: {  	[tilespmem:s11], [sflag:$0x2] =	stream.linear.gather [spmem:s12], $0x9C40, $0x38;
	[tilespmem:$0x177C8] =	vst v63  }
0x21: {  	p0 =	sne.s32 s31, $0x1;
	s15 =	sshrl.u32 s15, $0x3;
	_ =	swait.ge [sflag:s6], $0x9C40  }
.Ltmp0:
0x22: {  	s15 =	sadd.s32 s15, s16;
	[sflag:s6] =	ssyncset.done $0x0;
	(pc) =	sbr.rel @!p0 .LBB2_2-.Ltmp0, $4  }
0x23: {  	s14 =	sadd.s32 $0x12E00, s15;
	[sflag:s6] =	ssyncadd.s32 $0xFFFF63C0  }
0x24: {  	[hbm4b:s14+s5] =	stream.strided.scatter [tilespmem:s11], [sflag:$0x2], $0x9C80, s7, s5, $0x38;
	[tilespmem:$0x177C8] =	vst v63  }
0x25: {  	_ =	swait.ge [sflag:s6], $0x9C80  }
0x26: {  	s15 =	sadd.s32 $0xFFFFFFFF, s31;
	[sflag:s6] =	ssyncset.done $0x0  }
.LBB2_1:
0x27: {  	p0 =	sne.s32 s15, $0x1;
	s15 =	sadd.s32 $0xFFFFFFFF, s15;
	[sflag:s6] =	ssyncadd.s32 $0xFFFF6380  }
0x28: {  	[tilespmem:s3], [sflag:$0x2] =	stream.strided.gather [hbm4b:s4+s5], $0x1F80, s7, s5, $0x38;
	[tilespmem:$0x177C8] =	vst v63  }
0x29: {  	_ =	swait.ge [sflag:s6], $0x1F80  }
0x2a: {  	[sflag:s6] =	ssyncset.done $0x0  }
0x2b: {  	[sflag:s6] =	ssyncadd.s32 $0xFFFFE080  }
0x2c: {  	[tilespmem:s9], [sflag:$0x2] =	stream.strided.gather [hbm4b:s8+s5], $0x1F80, s7, s5, $0x38;
	[tilespmem:$0x177C8] =	vst v63  }
0x2d: {  	_ =	swait.ge [sflag:s6], $0x1F80  }
0x2e: {  	[sflag:s6] =	ssyncset.done $0x0  }
0x2f: {  	[sflag:s6] =	ssyncadd.s32 $0xFFFFE080  }
0x30: {  	[tilespmem:s11], [sflag:$0x2] =	stream.linear.gather [hbm4b:s10+s3], $0x9C80, $0x38;
	[tilespmem:$0x177C8] =	vst v63  }
0x31: {  	_ =	swait.ge [sflag:s6], $0x9C80  }
0x32: {  	[sflag:s6] =	ssyncset.done $0x0  }
0x33: {  	[sflag:s6] =	ssyncadd.s32 $0xFFFF6380  }
0x34: {  	[spmem:s12] =	stream.linear.scatter [tilespmem:s11], [sflag:$0x2], $0x9C40, $0x38;
	[tilespmem:$0x177C8] =	vst v63  }
0x35: {  	_ =	swait.ge [sflag:s6], $0x9C40  }
0x36: {  	[sflag:s6] =	ssyncset.done $0x0  }
0x37: {  	[sflag:s6] =	ssyncadd.s32 $0xFFFF63C0  }
0x38: {  	[spmem:s2] =	stream.indirect.scatter.add.f32 [tilespmem:s9], [sflag:$0x1], $0x1, s3, s9, $0xb8;
	[tilespmem:$0x177C8] =	vst v63  }
0x39: {  	_ =	swait.ge [sflag:s13], $0x1F80  }
0x3a: {  	[sflag:s13] =	ssyncset.done $0x0  }
0x3b: {  	[sflag:s13] =	ssyncadd.s32 $0xFFFFE080  }
0x3c: {  	[tilespmem:s11], [sflag:$0x2] =	stream.linear.gather [spmem:s12], $0x9C40, $0x38;
	[tilespmem:$0x177C8] =	vst v63  }
0x3d: {  	_ =	swait.ge [sflag:s6], $0x9C40  }
.Ltmp1:
0x3e: {  	[sflag:s6] =	ssyncset.done $0x0;
	(pc) =	sbr.rel @p0 .LBB2_1-.Ltmp1, $4  }
0x3f: {  	[sflag:s6] =	ssyncadd.s32 $0xFFFF63C0  }
0x40: {  	[hbm4b:s14+s5] =	stream.strided.scatter [tilespmem:s11], [sflag:$0x2], $0x9C80, s7, s5, $0x38;
	[tilespmem:$0x177C8] =	vst v63  }
0x41: {  	_ =	swait.ge [sflag:s6], $0x9C80  }
0x42: {  	[sflag:s6] =	ssyncset.done $0x0  }
.LBB2_2:
0x43: {  	[sflag:s6] =	ssyncadd.s32 $0xFFFF6380  }
0x44: {  	_ =	sfence.sel $0x180000  }
0x45: {  	[bflag:$0x0] =	sbarrier.arrive $0xFFFF  }
0x46: {  	p0 =	sne.s32 s0, $0x0;
	_ =	strace $0x90000047  }
0x47: {  	s0 =	sadd.s32 @!p0 $0x100000, s1;
	[bflag:$0x2] =	sbarrier.arrive $0xFFFF  }
0x48: {  	[sflag:s0] =	ssyncadd.tile.s32 @!p0 $0x1;
	_ =	shalt  }
.Lfunc_end2:
_tile_overlayer_lowered:
.L_overlay_start_2:
0x49: {  	(tag) =	ssettag $0x2  }
0x4a: {  	s0 =	rddreg [dreg:$0x0];
	s2 =	stileid.u32  }
0x4b: {  	s1 =	rddreg [dreg:$0x1];
	p0 =	sne.s32 s2, $0x0  }
0x4c: {  	s3 =	rddreg [dreg:$0x2];
	[bflag:$0x3] =	sbarrier.arrive $0xFFFF;
	s2 =	simm.s32 @!p0 $0x1C02  }
0x4d: {  	[timem:s3], [sflag:s2] =	dma.local @!p0 [hbm:s0], s1  }
0x4e: {  	s0 =	simm.s32 @!p0 $0x2  }
0x4f: {  	_ =	swait.ge @!p0 [sflag:s0], s1  }
0x50: {  	s1 =	ssub.s32 @!p0 $0x0, s1;
	[sflag:s0] =	ssyncset.done @!p0 $0x0  }
0x51: {  	[sflag:s0] =	ssyncadd.s32 @!p0 s1  }
0x52: {  	[bflag:$0x3] =	sbarrier.arrive $0xFFFF  }
0x53: {  	_ =	shalt  }

</sc_bundles>
